<compile_context>
chip_gen: v7x
topology: tpu7x:2x2x1
jax: 0.10.2.dev20260603
libtpu: 0.0.44.dev20260713+nightly
codegen_flags: <defaults>
</compile_context>

<pallas_src>
import jax
import jax.numpy as jnp
from jax import lax
from jax.experimental import pallas as pl
from jax.experimental.pallas import tpu as pltpu
from jax.experimental.pallas import tpu_sc as plsc

D_MODEL = 128
WINDOW = 128
NBUF = 6
LAG = 4
N_UNITS = 32


def kernel(x, table):
    b, s = x.shape
    n = b * s
    per_unit = n // N_UNITS
    nsteps = per_unit // WINDOW
    rounds = nsteps // NBUF
    idx = x.reshape(n).astype(jnp.int32)

    mesh = plsc.VectorSubcoreMesh(core_axis_name="core",
                                  subcore_axis_name="subcore")

    @pl.kernel(out_type=jax.ShapeDtypeStruct((n, D_MODEL), table.dtype),
               mesh=mesh,
               scratch_types=[pltpu.VMEM((per_unit,), jnp.int32),
                              pltpu.VMEM((NBUF, WINDOW, D_MODEL),
                                         jnp.float32),
                              pltpu.SemaphoreType.DMA((NBUF,)),
                              pltpu.SemaphoreType.DMA((NBUF,)),
                              pltpu.SemaphoreType.DMA])
    def gather_kernel(table_hbm, idx_hbm, out_hbm, idx_v, rows_v, gsem,
                      wsem, isem):
        wid = lax.axis_index("subcore") * 2 + lax.axis_index("core")
        unit_base = wid * per_unit

        pltpu.async_copy(idx_hbm.at[pl.ds(unit_base, per_unit)], idx_v,
                         isem).wait()

        def gather(slot, step):
            return pltpu.make_async_copy(
                table_hbm.at[idx_v.at[pl.ds(step * WINDOW, WINDOW)]],
                rows_v.at[slot], gsem.at[slot])

        def wb(slot, step):
            return pltpu.make_async_copy(
                rows_v.at[slot],
                out_hbm.at[pl.ds(unit_base + step * WINDOW, WINDOW)],
                wsem.at[slot])

        for t in range(LAG):
            gather(t % NBUF, t).start()
        for t in range(LAG, NBUF):
            gather(t % NBUF, t).start()
            gather((t - LAG) % NBUF, t - LAG).wait()
            wb((t - LAG) % NBUF, t - LAG).start()

        @pl.loop(1, rounds)
        def _(r):
            for slot in range(NBUF):
                t = r * NBUF + slot
                wb(slot, t - NBUF).wait()
                gather(slot, t).start()
                s2 = (slot + NBUF - LAG) % NBUF
                gather(s2, t - LAG).wait()
                wb(s2, t - LAG).start()

        for t in range(NBUF * rounds, nsteps):
            slot = t % NBUF
            wb(slot, t - NBUF).wait()
            gather(slot, t).start()
            s2 = (t - LAG) % NBUF
            gather(s2, t - LAG).wait()
            wb(s2, t - LAG).start()

        for step in range(nsteps, nsteps + LAG):
            gather((step - LAG) % NBUF, step - LAG).wait()
            wb((step - LAG) % NBUF, step - LAG).start()
        for step in range(nsteps - NBUF, nsteps):
            wb(step % NBUF, step).wait()

    out = gather_kernel(table, idx)
    return out.reshape(b, s, D_MODEL)

# --- scband reference (transcript-rebuilt; emitter-appended) ---
"""Pipeline reference for scband-token-embedding-7009386627133 (READ-ONLY COPY).

The authoritative reference and input builder live on the scoring server;
editing this copy changes nothing except your own understanding.
"""

import jax, jax.numpy as jnp
import numpy as np

VOCAB = 100000
D_MODEL = 128

def setup_inputs(seed: int = 0) -> dict:
    key = jax.random.key(seed)
    k1, k2 = jax.random.split(key)
    x = jax.random.randint(k1, (4096, 200), 0, VOCAB, dtype=jnp.int64) if jax.config.jax_enable_x64 else jax.random.randint(k1, (4096, 200), 0, VOCAB, dtype=jnp.int32)
    table = jax.random.normal(k2, (VOCAB, D_MODEL), dtype=jnp.float32)
    return {"x": x, "table": table}

def reference(x, table):
    # nn.Embedding: gather rows of the table by integer index
    return jnp.take(table, x, axis=0)

if __name__ == "__main__":
    import jax
    _d = setup_inputs()
    print(jax.jit(kernel)(*tuple(_d.values())))

</pallas_src>

<mosaic_0001>
#map = affine_map<(d0, d1) -> (0, 0)>
#map1 = affine_map<(d0, d1) -> (0)>
module attributes {stable_mosaic.version = 14 : i64} {
  func.func @gather_kernel(%arg0: i32, %arg1: i32, %arg2: memref<100000x128xf32, #tpu.memory_space<hbm>>, %arg3: memref<819200xi32, #tpu.memory_space<hbm>>, %arg4: memref<819200x128xf32, #tpu.memory_space<hbm>>, %arg5: memref<25600xi32, #tpu.memory_space<vmem>>, %arg6: memref<6x128x128xf32, #tpu.memory_space<vmem>>, %arg7: memref<6x!tpu.dma_semaphore, #tpu.memory_space<semaphore_mem>>, %arg8: memref<6x!tpu.dma_semaphore, #tpu.memory_space<semaphore_mem>>, %arg9: memref<!tpu.dma_semaphore, #tpu.memory_space<semaphore_mem>>) attributes {dimension_semantics = [#tpu.dimension_semantics<core_parallel>, #tpu.dimension_semantics<subcore_parallel>], iteration_bounds = array<i64: 2, 16>, scalar_prefetch = 0 : i64, scratch_operands = 5 : i64, tpu.core_type = #tpu.core_type<sc_vector_subcore>, window_params = [{transform_indices = #map}, {transform_indices = #map1}, {transform_indices = #map}]} {
    %mul3A = arith.constant 2 : i32
    %mul3A_0 = arith.muli %arg1, %mul3A : i32
    %add3A = arith.addi %mul3A_0, %arg0 : i32
    %mul3A_1 = arith.constant 25600 : i32
    %mul3A_2 = arith.muli %add3A, %mul3A_1 : i32
    %dma_start3A = tpu.memref_slice %arg3[%mul3A_2] : memref<819200xi32, #tpu.memory_space<hbm>> -> memref<25600xi32, #tpu.memory_space<hbm>>
    %dma_start3A_3 = tpu.memref_slice %arg3[%mul3A_2] : memref<819200xi32, #tpu.memory_space<hbm>> -> memref<25600xi32, #tpu.memory_space<hbm>>
    tpu.enqueue_dma source(%dma_start3A_3 : memref<25600xi32, #tpu.memory_space<hbm>>) target(%arg5 : memref<25600xi32, #tpu.memory_space<vmem>>) target_semaphore(%arg9 : memref<!tpu.dma_semaphore, #tpu.memory_space<semaphore_mem>>)
    %dma_wait3A = tpu.memref_slice %arg3[%mul3A_2] : memref<819200xi32, #tpu.memory_space<hbm>> -> memref<25600xi32, #tpu.memory_space<hbm>>
    %dma_wait3A_4 = tpu.memref_slice %arg3[%mul3A_2] : memref<819200xi32, #tpu.memory_space<hbm>> -> memref<25600xi32, #tpu.memory_space<hbm>>
    tpu.wait_dma2 semaphore(%arg9 : memref<!tpu.dma_semaphore, #tpu.memory_space<semaphore_mem>>) src(%dma_wait3A_4 : memref<25600xi32, #tpu.memory_space<hbm>>) dst(%arg5 : memref<25600xi32, #tpu.memory_space<vmem>>)
    %dma_start3A_5 = arith.constant 0 : i32
    %dma_start3A_6 = arith.constant 0 : i32
    %dma_start3A_7 = arith.constant 0 : i32
    %dma_start3A_8 = arith.constant 0 : i32
    %dma_start3A_9 = tpu.memref_slice %arg6[%dma_start3A_5, %dma_start3A_7, %dma_start3A_8] : memref<6x128x128xf32, #tpu.memory_space<vmem>> -> memref<1x128x128xf32, #tpu.memory_space<vmem>>
    %dma_start3A_10 = tpu.memref_squeeze %dma_start3A_9 : memref<1x128x128xf32, #tpu.memory_space<vmem>> -> memref<128x128xf32, #tpu.memory_space<vmem>>
    %dma_start3A_11 = arith.constant 0 : i32
    %dma_start3A_12 = tpu.memref_slice %arg5[%dma_start3A_11] : memref<25600xi32, #tpu.memory_space<vmem>> -> memref<128xi32, #tpu.memory_space<vmem>>
    %dma_start3A_13 = arith.constant 0 : i32
    %dma_start3A_14 = arith.constant 0 : i32
    %dma_start3A_15 = tpu.memref_slice %arg2[%dma_start3A_13, %dma_start3A_14] : memref<100000x128xf32, #tpu.memory_space<hbm>> -> memref<100000x128xf32, #tpu.memory_space<hbm>>
    %dma_start3A_16 = tpu.memref_slice %arg7[%dma_start3A_6] : memref<6x!tpu.dma_semaphore, #tpu.memory_space<semaphore_mem>> -> memref<1x!tpu.dma_semaphore, #tpu.memory_space<semaphore_mem>>
    %dma_start3A_17 = tpu.memref_squeeze %dma_start3A_16 : memref<1x!tpu.dma_semaphore, #tpu.memory_space<semaphore_mem>> -> memref<!tpu.dma_semaphore, #tpu.memory_space<semaphore_mem>>
    tpu.enqueue_indirect_dma source(%dma_start3A_15 : memref<100000x128xf32, #tpu.memory_space<hbm>>) target(%dma_start3A_10 : memref<128x128xf32, #tpu.memory_space<vmem>>) offsets(%dma_start3A_12 : memref<128xi32, #tpu.memory_space<vmem>>) semaphore(%dma_start3A_17 : memref<!tpu.dma_semaphore, #tpu.memory_space<semaphore_mem>>)
    %dma_start3A_18 = arith.constant 1 : i32
    %dma_start3A_19 = arith.constant 1 : i32
    %dma_start3A_20 = arith.constant 0 : i32
    %dma_start3A_21 = arith.constant 0 : i32
    %dma_start3A_22 = tpu.memref_slice %arg6[%dma_start3A_18, %dma_start3A_20, %dma_start3A_21] : memref<6x128x128xf32, #tpu.memory_space<vmem>> -> memref<1x128x128xf32, #tpu.memory_space<vmem>>
    %dma_start3A_23 = tpu.memref_squeeze %dma_start3A_22 : memref<1x128x128xf32, #tpu.memory_space<vmem>> -> memref<128x128xf32, #tpu.memory_space<vmem>>
    %dma_start3A_24 = arith.constant 128 : i32
    %dma_start3A_25 = tpu.memref_slice %arg5[%dma_start3A_24] : memref<25600xi32, #tpu.memory_space<vmem>> -> memref<128xi32, #tpu.memory_space<vmem>>
    %dma_start3A_26 = arith.constant 0 : i32
    %dma_start3A_27 = arith.constant 0 : i32
    %dma_start3A_28 = tpu.memref_slice %arg2[%dma_start3A_26, %dma_start3A_27] : memref<100000x128xf32, #tpu.memory_space<hbm>> -> memref<100000x128xf32, #tpu.memory_space<hbm>>
    %dma_start3A_29 = tpu.memref_slice %arg7[%dma_start3A_19] : memref<6x!tpu.dma_semaphore, #tpu.memory_space<semaphore_mem>> -> memref<1x!tpu.dma_semaphore, #tpu.memory_space<semaphore_mem>>
    %dma_start3A_30 = tpu.memref_squeeze %dma_start3A_29 : memref<1x!tpu.dma_semaphore, #tpu.memory_space<semaphore_mem>> -> memref<!tpu.dma_semaphore, #tpu.memory_space<semaphore_mem>>
    tpu.enqueue_indirect_dma source(%dma_start3A_28 : memref<100000x128xf32, #tpu.memory_space<hbm>>) target(%dma_start3A_23 : memref<128x128xf32, #tpu.memory_space<vmem>>) offsets(%dma_start3A_25 : memref<128xi32, #tpu.memory_space<vmem>>) semaphore(%dma_start3A_30 : memref<!tpu.dma_semaphore, #tpu.memory_space<semaphore_mem>>)
    %dma_start3A_31 = arith.constant 2 : i32
    %dma_start3A_32 = arith.constant 2 : i32
    %dma_start3A_33 = arith.constant 0 : i32
    %dma_start3A_34 = arith.constant 0 : i32
    %dma_start3A_35 = tpu.memref_slice %arg6[%dma_start3A_31, %dma_start3A_33, %dma_start3A_34] : memref<6x128x128xf32, #tpu.memory_space<vmem>> -> memref<1x128x128xf32, #tpu.memory_space<vmem>>
    %dma_start3A_36 = tpu.memref_squeeze %dma_start3A_35 : memref<1x128x128xf32, #tpu.memory_space<vmem>> -> memref<128x128xf32, #tpu.memory_space<vmem>>
    %dma_start3A_37 = arith.constant 256 : i32
    %dma_start3A_38 = tpu.memref_slice %arg5[%dma_start3A_37] : memref<25600xi32, #tpu.memory_space<vmem>> -> memref<128xi32, #tpu.memory_space<vmem>>
    %dma_start3A_39 = arith.constant 0 : i32
    %dma_start3A_40 = arith.constant 0 : i32
    %dma_start3A_41 = tpu.memref_slice %arg2[%dma_start3A_39, %dma_start3A_40] : memref<100000x128xf32, #tpu.memory_space<hbm>> -> memref<100000x128xf32, #tpu.memory_space<hbm>>
    %dma_start3A_42 = tpu.memref_slice %arg7[%dma_start3A_32] : memref<6x!tpu.dma_semaphore, #tpu.memory_space<semaphore_mem>> -> memref<1x!tpu.dma_semaphore, #tpu.memory_space<semaphore_mem>>
    %dma_start3A_43 = tpu.memref_squeeze %dma_start3A_42 : memref<1x!tpu.dma_semaphore, #tpu.memory_space<semaphore_mem>> -> memref<!tpu.dma_semaphore, #tpu.memory_space<semaphore_mem>>
    tpu.enqueue_indirect_dma source(%dma_start3A_41 : memref<100000x128xf32, #tpu.memory_space<hbm>>) target(%dma_start3A_36 : memref<128x128xf32, #tpu.memory_space<vmem>>) offsets(%dma_start3A_38 : memref<128xi32, #tpu.memory_space<vmem>>) semaphore(%dma_start3A_43 : memref<!tpu.dma_semaphore, #tpu.memory_space<semaphore_mem>>)
    %dma_start3A_44 = arith.constant 3 : i32
    %dma_start3A_45 = arith.constant 3 : i32
    %dma_start3A_46 = arith.constant 0 : i32
    %dma_start3A_47 = arith.constant 0 : i32
    %dma_start3A_48 = tpu.memref_slice %arg6[%dma_start3A_44, %dma_start3A_46, %dma_start3A_47] : memref<6x128x128xf32, #tpu.memory_space<vmem>> -> memref<1x128x128xf32, #tpu.memory_space<vmem>>
    %dma_start3A_49 = tpu.memref_squeeze %dma_start3A_48 : memref<1x128x128xf32, #tpu.memory_space<vmem>> -> memref<128x128xf32, #tpu.memory_space<vmem>>
    %dma_start3A_50 = arith.constant 384 : i32
    %dma_start3A_51 = tpu.memref_slice %arg5[%dma_start3A_50] : memref<25600xi32, #tpu.memory_space<vmem>> -> memref<128xi32, #tpu.memory_space<vmem>>
    %dma_start3A_52 = arith.constant 0 : i32
    %dma_start3A_53 = arith.constant 0 : i32
    %dma_start3A_54 = tpu.memref_slice %arg2[%dma_start3A_52, %dma_start3A_53] : memref<100000x128xf32, #tpu.memory_space<hbm>> -> memref<100000x128xf32, #tpu.memory_space<hbm>>
    %dma_start3A_55 = tpu.memref_slice %arg7[%dma_start3A_45] : memref<6x!tpu.dma_semaphore, #tpu.memory_space<semaphore_mem>> -> memref<1x!tpu.dma_semaphore, #tpu.memory_space<semaphore_mem>>
    %dma_start3A_56 = tpu.memref_squeeze %dma_start3A_55 : memref<1x!tpu.dma_semaphore, #tpu.memory_space<semaphore_mem>> -> memref<!tpu.dma_semaphore, #tpu.memory_space<semaphore_mem>>
    tpu.enqueue_indirect_dma source(%dma_start3A_54 : memref<100000x128xf32, #tpu.memory_space<hbm>>) target(%dma_start3A_49 : memref<128x128xf32, #tpu.memory_space<vmem>>) offsets(%dma_start3A_51 : memref<128xi32, #tpu.memory_space<vmem>>) semaphore(%dma_start3A_56 : memref<!tpu.dma_semaphore, #tpu.memory_space<semaphore_mem>>)
    %dma_start3A_57 = arith.constant 4 : i32
    %dma_start3A_58 = arith.constant 4 : i32
    %dma_start3A_59 = arith.constant 0 : i32
    %dma_start3A_60 = arith.constant 0 : i32
    %dma_start3A_61 = tpu.memref_slice %arg6[%dma_start3A_57, %dma_start3A_59, %dma_start3A_60] : memref<6x128x128xf32, #tpu.memory_space<vmem>> -> memref<1x128x128xf32, #tpu.memory_space<vmem>>
    %dma_start3A_62 = tpu.memref_squeeze %dma_start3A_61 : memref<1x128x128xf32, #tpu.memory_space<vmem>> -> memref<128x128xf32, #tpu.memory_space<vmem>>
    %dma_start3A_63 = arith.constant 512 : i32
    %dma_start3A_64 = tpu.memref_slice %arg5[%dma_start3A_63] : memref<25600xi32, #tpu.memory_space<vmem>> -> memref<128xi32, #tpu.memory_space<vmem>>
    %dma_start3A_65 = arith.constant 0 : i32
    %dma_start3A_66 = arith.constant 0 : i32
    %dma_start3A_67 = tpu.memref_slice %arg2[%dma_start3A_65, %dma_start3A_66] : memref<100000x128xf32, #tpu.memory_space<hbm>> -> memref<100000x128xf32, #tpu.memory_space<hbm>>
    %dma_start3A_68 = tpu.memref_slice %arg7[%dma_start3A_58] : memref<6x!tpu.dma_semaphore, #tpu.memory_space<semaphore_mem>> -> memref<1x!tpu.dma_semaphore, #tpu.memory_space<semaphore_mem>>
    %dma_start3A_69 = tpu.memref_squeeze %dma_start3A_68 : memref<1x!tpu.dma_semaphore, #tpu.memory_space<semaphore_mem>> -> memref<!tpu.dma_semaphore, #tpu.memory_space<semaphore_mem>>
    tpu.enqueue_indirect_dma source(%dma_start3A_67 : memref<100000x128xf32, #tpu.memory_space<hbm>>) target(%dma_start3A_62 : memref<128x128xf32, #tpu.memory_space<vmem>>) offsets(%dma_start3A_64 : memref<128xi32, #tpu.memory_space<vmem>>) semaphore(%dma_start3A_69 : memref<!tpu.dma_semaphore, #tpu.memory_space<semaphore_mem>>)
    %dma_wait3A_70 = arith.constant 0 : i32
    %dma_wait3A_71 = arith.constant 0 : i32
    %dma_wait3A_72 = arith.constant 0 : i32
    %dma_wait3A_73 = arith.constant 0 : i32
    %dma_wait3A_74 = tpu.memref_slice %arg6[%dma_wait3A_70, %dma_wait3A_72, %dma_wait3A_73] : memref<6x128x128xf32, #tpu.memory_space<vmem>> -> memref<1x128x128xf32, #tpu.memory_space<vmem>>
    %dma_wait3A_75 = tpu.memref_squeeze %dma_wait3A_74 : memref<1x128x128xf32, #tpu.memory_space<vmem>> -> memref<128x128xf32, #tpu.memory_space<vmem>>
    %dma_wait3A_76 = arith.constant 0 : i32
    %dma_wait3A_77 = tpu.memref_slice %arg5[%dma_wait3A_76] : memref<25600xi32, #tpu.memory_space<vmem>> -> memref<128xi32, #tpu.memory_space<vmem>>
    %dma_wait3A_78 = arith.constant 0 : i32
    %dma_wait3A_79 = arith.constant 0 : i32
    %dma_wait3A_80 = tpu.memref_slice %arg2[%dma_wait3A_78, %dma_wait3A_79] : memref<100000x128xf32, #tpu.memory_space<hbm>> -> memref<100000x128xf32, #tpu.memory_space<hbm>>
    %dma_wait3A_81 = tpu.memref_slice %arg7[%dma_wait3A_71] : memref<6x!tpu.dma_semaphore, #tpu.memory_space<semaphore_mem>> -> memref<1x!tpu.dma_semaphore, #tpu.memory_space<semaphore_mem>>
    %dma_wait3A_82 = tpu.memref_squeeze %dma_wait3A_81 : memref<1x!tpu.dma_semaphore, #tpu.memory_space<semaphore_mem>> -> memref<!tpu.dma_semaphore, #tpu.memory_space<semaphore_mem>>
    tpu.wait_indirect_dma semaphore(%dma_wait3A_82 : memref<!tpu.dma_semaphore, #tpu.memory_space<semaphore_mem>>) src(%dma_wait3A_80 : memref<100000x128xf32, #tpu.memory_space<hbm>>) dst(%dma_wait3A_75 : memref<128x128xf32, #tpu.memory_space<vmem>>)
    %add3A_83 = arith.constant 0 : i32
    %add3A_84 = arith.addi %mul3A_2, %add3A_83 : i32
    %dma_start3A_85 = arith.constant 0 : i32
    %dma_start3A_86 = arith.constant 0 : i32
    %dma_start3A_87 = arith.constant 0 : i32
    %dma_start3A_88 = arith.constant 0 : i32
    %dma_start3A_89 = tpu.memref_slice %arg6[%dma_start3A_85, %dma_start3A_87, %dma_start3A_88] : memref<6x128x128xf32, #tpu.memory_space<vmem>> -> memref<1x128x128xf32, #tpu.memory_space<vmem>>
    %dma_start3A_90 = tpu.memref_squeeze %dma_start3A_89 : memref<1x128x128xf32, #tpu.memory_space<vmem>> -> memref<128x128xf32, #tpu.memory_space<vmem>>
    %dma_start3A_91 = arith.constant 0 : i32
    %dma_start3A_92 = tpu.memref_slice %arg4[%add3A_84, %dma_start3A_91] : memref<819200x128xf32, #tpu.memory_space<hbm>> -> memref<128x128xf32, #tpu.memory_space<hbm>>
    %dma_start3A_93 = tpu.memref_slice %arg8[%dma_start3A_86] : memref<6x!tpu.dma_semaphore, #tpu.memory_space<semaphore_mem>> -> memref<1x!tpu.dma_semaphore, #tpu.memory_space<semaphore_mem>>
    %dma_start3A_94 = tpu.memref_squeeze %dma_start3A_93 : memref<1x!tpu.dma_semaphore, #tpu.memory_space<semaphore_mem>> -> memref<!tpu.dma_semaphore, #tpu.memory_space<semaphore_mem>>
    %dma_start3A_95 = arith.constant 0 : i32
    %dma_start3A_96 = tpu.memref_slice %arg4[%add3A_84, %dma_start3A_95] : memref<819200x128xf32, #tpu.memory_space<hbm>> -> memref<128x128xf32, #tpu.memory_space<hbm>>
    %dma_start3A_97 = arith.constant 0 : i32
    %dma_start3A_98 = arith.constant 0 : i32
    %dma_start3A_99 = tpu.memref_slice %arg6[%dma_start3A_85, %dma_start3A_97, %dma_start3A_98] : memref<6x128x128xf32, #tpu.memory_space<vmem>> -> memref<1x128x128xf32, #tpu.memory_space<vmem>>
    %dma_start3A_100 = tpu.memref_squeeze %dma_start3A_99 : memref<1x128x128xf32, #tpu.memory_space<vmem>> -> memref<128x128xf32, #tpu.memory_space<vmem>>
    tpu.enqueue_dma source(%dma_start3A_100 : memref<128x128xf32, #tpu.memory_space<vmem>>) target(%dma_start3A_96 : memref<128x128xf32, #tpu.memory_space<hbm>>) target_semaphore(%dma_start3A_94 : memref<!tpu.dma_semaphore, #tpu.memory_space<semaphore_mem>>)
    %dma_start3A_101 = arith.constant 5 : i32
    %dma_start3A_102 = arith.constant 5 : i32
    %dma_start3A_103 = arith.constant 0 : i32
    %dma_start3A_104 = arith.constant 0 : i32
    %dma_start3A_105 = tpu.memref_slice %arg6[%dma_start3A_101, %dma_start3A_103, %dma_start3A_104] : memref<6x128x128xf32, #tpu.memory_space<vmem>> -> memref<1x128x128xf32, #tpu.memory_space<vmem>>
    %dma_start3A_106 = tpu.memref_squeeze %dma_start3A_105 : memref<1x128x128xf32, #tpu.memory_space<vmem>> -> memref<128x128xf32, #tpu.memory_space<vmem>>
    %dma_start3A_107 = arith.constant 640 : i32
    %dma_start3A_108 = tpu.memref_slice %arg5[%dma_start3A_107] : memref<25600xi32, #tpu.memory_space<vmem>> -> memref<128xi32, #tpu.memory_space<vmem>>
    %dma_start3A_109 = arith.constant 0 : i32
    %dma_start3A_110 = arith.constant 0 : i32
    %dma_start3A_111 = tpu.memref_slice %arg2[%dma_start3A_109, %dma_start3A_110] : memref<100000x128xf32, #tpu.memory_space<hbm>> -> memref<100000x128xf32, #tpu.memory_space<hbm>>
    %dma_start3A_112 = tpu.memref_slice %arg7[%dma_start3A_102] : memref<6x!tpu.dma_semaphore, #tpu.memory_space<semaphore_mem>> -> memref<1x!tpu.dma_semaphore, #tpu.memory_space<semaphore_mem>>
    %dma_start3A_113 = tpu.memref_squeeze %dma_start3A_112 : memref<1x!tpu.dma_semaphore, #tpu.memory_space<semaphore_mem>> -> memref<!tpu.dma_semaphore, #tpu.memory_space<semaphore_mem>>
    tpu.enqueue_indirect_dma source(%dma_start3A_111 : memref<100000x128xf32, #tpu.memory_space<hbm>>) target(%dma_start3A_106 : memref<128x128xf32, #tpu.memory_space<vmem>>) offsets(%dma_start3A_108 : memref<128xi32, #tpu.memory_space<vmem>>) semaphore(%dma_start3A_113 : memref<!tpu.dma_semaphore, #tpu.memory_space<semaphore_mem>>)
    %dma_wait3A_114 = arith.constant 1 : i32
    %dma_wait3A_115 = arith.constant 1 : i32
    %dma_wait3A_116 = arith.constant 0 : i32
    %dma_wait3A_117 = arith.constant 0 : i32
    %dma_wait3A_118 = tpu.memref_slice %arg6[%dma_wait3A_114, %dma_wait3A_116, %dma_wait3A_117] : memref<6x128x128xf32, #tpu.memory_space<vmem>> -> memref<1x128x128xf32, #tpu.memory_space<vmem>>
    %dma_wait3A_119 = tpu.memref_squeeze %dma_wait3A_118 : memref<1x128x128xf32, #tpu.memory_space<vmem>> -> memref<128x128xf32, #tpu.memory_space<vmem>>
    %dma_wait3A_120 = arith.constant 128 : i32
    %dma_wait3A_121 = tpu.memref_slice %arg5[%dma_wait3A_120] : memref<25600xi32, #tpu.memory_space<vmem>> -> memref<128xi32, #tpu.memory_space<vmem>>
    %dma_wait3A_122 = arith.constant 0 : i32
    %dma_wait3A_123 = arith.constant 0 : i32
    %dma_wait3A_124 = tpu.memref_slice %arg2[%dma_wait3A_122, %dma_wait3A_123] : memref<100000x128xf32, #tpu.memory_space<hbm>> -> memref<100000x128xf32, #tpu.memory_space<hbm>>
    %dma_wait3A_125 = tpu.memref_slice %arg7[%dma_wait3A_115] : memref<6x!tpu.dma_semaphore, #tpu.memory_space<semaphore_mem>> -> memref<1x!tpu.dma_semaphore, #tpu.memory_space<semaphore_mem>>
    %dma_wait3A_126 = tpu.memref_squeeze %dma_wait3A_125 : memref<1x!tpu.dma_semaphore, #tpu.memory_space<semaphore_mem>> -> memref<!tpu.dma_semaphore, #tpu.memory_space<semaphore_mem>>
    tpu.wait_indirect_dma semaphore(%dma_wait3A_126 : memref<!tpu.dma_semaphore, #tpu.memory_space<semaphore_mem>>) src(%dma_wait3A_124 : memref<100000x128xf32, #tpu.memory_space<hbm>>) dst(%dma_wait3A_119 : memref<128x128xf32, #tpu.memory_space<vmem>>)
    %add3A_127 = arith.constant 128 : i32
    %add3A_128 = arith.addi %mul3A_2, %add3A_127 : i32
    %dma_start3A_129 = arith.constant 1 : i32
    %dma_start3A_130 = arith.constant 1 : i32
    %dma_start3A_131 = arith.constant 0 : i32
    %dma_start3A_132 = arith.constant 0 : i32
    %dma_start3A_133 = tpu.memref_slice %arg6[%dma_start3A_129, %dma_start3A_131, %dma_start3A_132] : memref<6x128x128xf32, #tpu.memory_space<vmem>> -> memref<1x128x128xf32, #tpu.memory_space<vmem>>
    %dma_start3A_134 = tpu.memref_squeeze %dma_start3A_133 : memref<1x128x128xf32, #tpu.memory_space<vmem>> -> memref<128x128xf32, #tpu.memory_space<vmem>>
    %dma_start3A_135 = arith.constant 0 : i32
    %dma_start3A_136 = tpu.memref_slice %arg4[%add3A_128, %dma_start3A_135] : memref<819200x128xf32, #tpu.memory_space<hbm>> -> memref<128x128xf32, #tpu.memory_space<hbm>>
    %dma_start3A_137 = tpu.memref_slice %arg8[%dma_start3A_130] : memref<6x!tpu.dma_semaphore, #tpu.memory_space<semaphore_mem>> -> memref<1x!tpu.dma_semaphore, #tpu.memory_space<semaphore_mem>>
    %dma_start3A_138 = tpu.memref_squeeze %dma_start3A_137 : memref<1x!tpu.dma_semaphore, #tpu.memory_space<semaphore_mem>> -> memref<!tpu.dma_semaphore, #tpu.memory_space<semaphore_mem>>
    %dma_start3A_139 = arith.constant 0 : i32
    %dma_start3A_140 = tpu.memref_slice %arg4[%add3A_128, %dma_start3A_139] : memref<819200x128xf32, #tpu.memory_space<hbm>> -> memref<128x128xf32, #tpu.memory_space<hbm>>
    %dma_start3A_141 = arith.constant 0 : i32
    %dma_start3A_142 = arith.constant 0 : i32
    %dma_start3A_143 = tpu.memref_slice %arg6[%dma_start3A_129, %dma_start3A_141, %dma_start3A_142] : memref<6x128x128xf32, #tpu.memory_space<vmem>> -> memref<1x128x128xf32, #tpu.memory_space<vmem>>
    %dma_start3A_144 = tpu.memref_squeeze %dma_start3A_143 : memref<1x128x128xf32, #tpu.memory_space<vmem>> -> memref<128x128xf32, #tpu.memory_space<vmem>>
    tpu.enqueue_dma source(%dma_start3A_144 : memref<128x128xf32, #tpu.memory_space<vmem>>) target(%dma_start3A_140 : memref<128x128xf32, #tpu.memory_space<hbm>>) target_semaphore(%dma_start3A_138 : memref<!tpu.dma_semaphore, #tpu.memory_space<semaphore_mem>>)
    %scan3A = arith.constant 0 : i32
    %scan3A_145 = arith.constant 32 : i32
    %scan3A_146 = arith.addi %scan3A, %scan3A_145 : i32
    %scan3A_147 = arith.constant 1 : i32
    scf.for %scan3A_505 = %scan3A to %scan3A_146 step %scan3A_147  : i32 {
      %mul3A_506 = arith.constant 1 : i32
      %mul3A_507 = arith.muli %scan3A_505, %mul3A_506 : i32
      %add3A_508 = arith.constant 1 : i32
      %add3A_509 = arith.addi %add3A_508, %mul3A_507 : i32
      %mul3A_510 = arith.constant 6 : i32
      %mul3A_511 = arith.muli %add3A_509, %mul3A_510 : i32
      %add3A_512 = arith.constant 0 : i32
      %add3A_513 = arith.addi %mul3A_511, %add3A_512 : i32
      %sub3A = arith.constant 6 : i32
      %sub3A_514 = arith.subi %add3A_513, %sub3A : i32
      %mul3A_515 = arith.constant 128 : i32
      %mul3A_516 = arith.muli %sub3A_514, %mul3A_515 : i32
      %add3A_517 = arith.addi %mul3A_2, %mul3A_516 : i32
      %dma_wait3A_518 = arith.constant 0 : i32
      %dma_wait3A_519 = arith.constant 0 : i32
      %dma_wait3A_520 = arith.constant 0 : i32
      %dma_wait3A_521 = arith.constant 0 : i32
      %dma_wait3A_522 = tpu.memref_slice %arg6[%dma_wait3A_518, %dma_wait3A_520, %dma_wait3A_521] : memref<6x128x128xf32, #tpu.memory_space<vmem>> -> memref<1x128x128xf32, #tpu.memory_space<vmem>>
      %dma_wait3A_523 = tpu.memref_squeeze %dma_wait3A_522 : memref<1x128x128xf32, #tpu.memory_space<vmem>> -> memref<128x128xf32, #tpu.memory_space<vmem>>
      %dma_wait3A_524 = arith.constant 0 : i32
      %dma_wait3A_525 = tpu.memref_slice %arg4[%add3A_517, %dma_wait3A_524] : memref<819200x128xf32, #tpu.memory_space<hbm>> -> memref<128x128xf32, #tpu.memory_space<hbm>>
      %dma_wait3A_526 = tpu.memref_slice %arg8[%dma_wait3A_519] : memref<6x!tpu.dma_semaphore, #tpu.memory_space<semaphore_mem>> -> memref<1x!tpu.dma_semaphore, #tpu.memory_space<semaphore_mem>>
      %dma_wait3A_527 = tpu.memref_squeeze %dma_wait3A_526 : memref<1x!tpu.dma_semaphore, #tpu.memory_space<semaphore_mem>> -> memref<!tpu.dma_semaphore, #tpu.memory_space<semaphore_mem>>
      %dma_wait3A_528 = arith.constant 0 : i32
      %dma_wait3A_529 = tpu.memref_slice %arg4[%add3A_517, %dma_wait3A_528] : memref<819200x128xf32, #tpu.memory_space<hbm>> -> memref<128x128xf32, #tpu.memory_space<hbm>>
      %dma_wait3A_530 = arith.constant 0 : i32
      %dma_wait3A_531 = arith.constant 0 : i32
      %dma_wait3A_532 = tpu.memref_slice %arg6[%dma_wait3A_518, %dma_wait3A_530, %dma_wait3A_531] : memref<6x128x128xf32, #tpu.memory_space<vmem>> -> memref<1x128x128xf32, #tpu.memory_space<vmem>>
      %dma_wait3A_533 = tpu.memref_squeeze %dma_wait3A_532 : memref<1x128x128xf32, #tpu.memory_space<vmem>> -> memref<128x128xf32, #tpu.memory_space<vmem>>
      tpu.wait_dma2 semaphore(%dma_wait3A_527 : memref<!tpu.dma_semaphore, #tpu.memory_space<semaphore_mem>>) src(%dma_wait3A_533 : memref<128x128xf32, #tpu.memory_space<vmem>>) dst(%dma_wait3A_529 : memref<128x128xf32, #tpu.memory_space<hbm>>)
      %mul3A_534 = arith.constant 128 : i32
      %mul3A_535 = arith.muli %add3A_513, %mul3A_534 : i32
      %dma_start3A_536 = arith.constant 0 : i32
      %dma_start3A_537 = arith.constant 0 : i32
      %dma_start3A_538 = arith.constant 0 : i32
      %dma_start3A_539 = arith.constant 0 : i32
      %dma_start3A_540 = tpu.memref_slice %arg6[%dma_start3A_536, %dma_start3A_538, %dma_start3A_539] : memref<6x128x128xf32, #tpu.memory_space<vmem>> -> memref<1x128x128xf32, #tpu.memory_space<vmem>>
      %dma_start3A_541 = tpu.memref_squeeze %dma_start3A_540 : memref<1x128x128xf32, #tpu.memory_space<vmem>> -> memref<128x128xf32, #tpu.memory_space<vmem>>
      %dma_start3A_542 = tpu.memref_slice %arg5[%mul3A_535] : memref<25600xi32, #tpu.memory_space<vmem>> -> memref<128xi32, #tpu.memory_space<vmem>>
      %dma_start3A_543 = arith.constant 0 : i32
      %dma_start3A_544 = arith.constant 0 : i32
      %dma_start3A_545 = tpu.memref_slice %arg2[%dma_start3A_543, %dma_start3A_544] : memref<100000x128xf32, #tpu.memory_space<hbm>> -> memref<100000x128xf32, #tpu.memory_space<hbm>>
      %dma_start3A_546 = tpu.memref_slice %arg7[%dma_start3A_537] : memref<6x!tpu.dma_semaphore, #tpu.memory_space<semaphore_mem>> -> memref<1x!tpu.dma_semaphore, #tpu.memory_space<semaphore_mem>>
      %dma_start3A_547 = tpu.memref_squeeze %dma_start3A_546 : memref<1x!tpu.dma_semaphore, #tpu.memory_space<semaphore_mem>> -> memref<!tpu.dma_semaphore, #tpu.memory_space<semaphore_mem>>
      tpu.enqueue_indirect_dma source(%dma_start3A_545 : memref<100000x128xf32, #tpu.memory_space<hbm>>) target(%dma_start3A_541 : memref<128x128xf32, #tpu.memory_space<vmem>>) offsets(%dma_start3A_542 : memref<128xi32, #tpu.memory_space<vmem>>) semaphore(%dma_start3A_547 : memref<!tpu.dma_semaphore, #tpu.memory_space<semaphore_mem>>)
      %sub3A_548 = arith.constant 4 : i32
      %sub3A_549 = arith.subi %add3A_513, %sub3A_548 : i32
      %mul3A_550 = arith.constant 128 : i32
      %mul3A_551 = arith.muli %sub3A_549, %mul3A_550 : i32
      %dma_wait3A_552 = arith.constant 2 : i32
      %dma_wait3A_553 = arith.constant 2 : i32
      %dma_wait3A_554 = arith.constant 0 : i32
      %dma_wait3A_555 = arith.constant 0 : i32
      %dma_wait3A_556 = tpu.memref_slice %arg6[%dma_wait3A_552, %dma_wait3A_554, %dma_wait3A_555] : memref<6x128x128xf32, #tpu.memory_space<vmem>> -> memref<1x128x128xf32, #tpu.memory_space<vmem>>
      %dma_wait3A_557 = tpu.memref_squeeze %dma_wait3A_556 : memref<1x128x128xf32, #tpu.memory_space<vmem>> -> memref<128x128xf32, #tpu.memory_space<vmem>>
      %dma_wait3A_558 = tpu.memref_slice %arg5[%mul3A_551] : memref<25600xi32, #tpu.memory_space<vmem>> -> memref<128xi32, #tpu.memory_space<vmem>>
      %dma_wait3A_559 = arith.constant 0 : i32
      %dma_wait3A_560 = arith.constant 0 : i32
      %dma_wait3A_561 = tpu.memref_slice %arg2[%dma_wait3A_559, %dma_wait3A_560] : memref<100000x128xf32, #tpu.memory_space<hbm>> -> memref<100000x128xf32, #tpu.memory_space<hbm>>
      %dma_wait3A_562 = tpu.memref_slice %arg7[%dma_wait3A_553] : memref<6x!tpu.dma_semaphore, #tpu.memory_space<semaphore_mem>> -> memref<1x!tpu.dma_semaphore, #tpu.memory_space<semaphore_mem>>
      %dma_wait3A_563 = tpu.memref_squeeze %dma_wait3A_562 : memref<1x!tpu.dma_semaphore, #tpu.memory_space<semaphore_mem>> -> memref<!tpu.dma_semaphore, #tpu.memory_space<semaphore_mem>>
      tpu.wait_indirect_dma semaphore(%dma_wait3A_563 : memref<!tpu.dma_semaphore, #tpu.memory_space<semaphore_mem>>) src(%dma_wait3A_561 : memref<100000x128xf32, #tpu.memory_space<hbm>>) dst(%dma_wait3A_557 : memref<128x128xf32, #tpu.memory_space<vmem>>)
      %sub3A_564 = arith.constant 4 : i32
      %sub3A_565 = arith.subi %add3A_513, %sub3A_564 : i32
      %mul3A_566 = arith.constant 128 : i32
      %mul3A_567 = arith.muli %sub3A_565, %mul3A_566 : i32
      %add3A_568 = arith.addi %mul3A_2, %mul3A_567 : i32
      %dma_start3A_569 = arith.constant 2 : i32
      %dma_start3A_570 = arith.constant 2 : i32
      %dma_start3A_571 = arith.constant 0 : i32
      %dma_start3A_572 = arith.constant 0 : i32
      %dma_start3A_573 = tpu.memref_slice %arg6[%dma_start3A_569, %dma_start3A_571, %dma_start3A_572] : memref<6x128x128xf32, #tpu.memory_space<vmem>> -> memref<1x128x128xf32, #tpu.memory_space<vmem>>
      %dma_start3A_574 = tpu.memref_squeeze %dma_start3A_573 : memref<1x128x128xf32, #tpu.memory_space<vmem>> -> memref<128x128xf32, #tpu.memory_space<vmem>>
      %dma_start3A_575 = arith.constant 0 : i32
      %dma_start3A_576 = tpu.memref_slice %arg4[%add3A_568, %dma_start3A_575] : memref<819200x128xf32, #tpu.memory_space<hbm>> -> memref<128x128xf32, #tpu.memory_space<hbm>>
      %dma_start3A_577 = tpu.memref_slice %arg8[%dma_start3A_570] : memref<6x!tpu.dma_semaphore, #tpu.memory_space<semaphore_mem>> -> memref<1x!tpu.dma_semaphore, #tpu.memory_space<semaphore_mem>>
      %dma_start3A_578 = tpu.memref_squeeze %dma_start3A_577 : memref<1x!tpu.dma_semaphore, #tpu.memory_space<semaphore_mem>> -> memref<!tpu.dma_semaphore, #tpu.memory_space<semaphore_mem>>
      %dma_start3A_579 = arith.constant 0 : i32
      %dma_start3A_580 = tpu.memref_slice %arg4[%add3A_568, %dma_start3A_579] : memref<819200x128xf32, #tpu.memory_space<hbm>> -> memref<128x128xf32, #tpu.memory_space<hbm>>
      %dma_start3A_581 = arith.constant 0 : i32
      %dma_start3A_582 = arith.constant 0 : i32
      %dma_start3A_583 = tpu.memref_slice %arg6[%dma_start3A_569, %dma_start3A_581, %dma_start3A_582] : memref<6x128x128xf32, #tpu.memory_space<vmem>> -> memref<1x128x128xf32, #tpu.memory_space<vmem>>
      %dma_start3A_584 = tpu.memref_squeeze %dma_start3A_583 : memref<1x128x128xf32, #tpu.memory_space<vmem>> -> memref<128x128xf32, #tpu.memory_space<vmem>>
      tpu.enqueue_dma source(%dma_start3A_584 : memref<128x128xf32, #tpu.memory_space<vmem>>) target(%dma_start3A_580 : memref<128x128xf32, #tpu.memory_space<hbm>>) target_semaphore(%dma_start3A_578 : memref<!tpu.dma_semaphore, #tpu.memory_space<semaphore_mem>>)
      %mul3A_585 = arith.constant 6 : i32
      %mul3A_586 = arith.muli %add3A_509, %mul3A_585 : i32
      %add3A_587 = arith.constant 1 : i32
      %add3A_588 = arith.addi %mul3A_586, %add3A_587 : i32
      %sub3A_589 = arith.constant 6 : i32
      %sub3A_590 = arith.subi %add3A_588, %sub3A_589 : i32
      %mul3A_591 = arith.constant 128 : i32
      %mul3A_592 = arith.muli %sub3A_590, %mul3A_591 : i32
      %add3A_593 = arith.addi %mul3A_2, %mul3A_592 : i32
      %dma_wait3A_594 = arith.constant 1 : i32
      %dma_wait3A_595 = arith.constant 1 : i32
      %dma_wait3A_596 = arith.constant 0 : i32
      %dma_wait3A_597 = arith.constant 0 : i32
      %dma_wait3A_598 = tpu.memref_slice %arg6[%dma_wait3A_594, %dma_wait3A_596, %dma_wait3A_597] : memref<6x128x128xf32, #tpu.memory_space<vmem>> -> memref<1x128x128xf32, #tpu.memory_space<vmem>>
      %dma_wait3A_599 = tpu.memref_squeeze %dma_wait3A_598 : memref<1x128x128xf32, #tpu.memory_space<vmem>> -> memref<128x128xf32, #tpu.memory_space<vmem>>
      %dma_wait3A_600 = arith.constant 0 : i32
      %dma_wait3A_601 = tpu.memref_slice %arg4[%add3A_593, %dma_wait3A_600] : memref<819200x128xf32, #tpu.memory_space<hbm>> -> memref<128x128xf32, #tpu.memory_space<hbm>>
      %dma_wait3A_602 = tpu.memref_slice %arg8[%dma_wait3A_595] : memref<6x!tpu.dma_semaphore, #tpu.memory_space<semaphore_mem>> -> memref<1x!tpu.dma_semaphore, #tpu.memory_space<semaphore_mem>>
      %dma_wait3A_603 = tpu.memref_squeeze %dma_wait3A_602 : memref<1x!tpu.dma_semaphore, #tpu.memory_space<semaphore_mem>> -> memref<!tpu.dma_semaphore, #tpu.memory_space<semaphore_mem>>
      %dma_wait3A_604 = arith.constant 0 : i32
      %dma_wait3A_605 = tpu.memref_slice %arg4[%add3A_593, %dma_wait3A_604] : memref<819200x128xf32, #tpu.memory_space<hbm>> -> memref<128x128xf32, #tpu.memory_space<hbm>>
      %dma_wait3A_606 = arith.constant 0 : i32
      %dma_wait3A_607 = arith.constant 0 : i32
      %dma_wait3A_608 = tpu.memref_slice %arg6[%dma_wait3A_594, %dma_wait3A_606, %dma_wait3A_607] : memref<6x128x128xf32, #tpu.memory_space<vmem>> -> memref<1x128x128xf32, #tpu.memory_space<vmem>>
      %dma_wait3A_609 = tpu.memref_squeeze %dma_wait3A_608 : memref<1x128x128xf32, #tpu.memory_space<vmem>> -> memref<128x128xf32, #tpu.memory_space<vmem>>
      tpu.wait_dma2 semaphore(%dma_wait3A_603 : memref<!tpu.dma_semaphore, #tpu.memory_space<semaphore_mem>>) src(%dma_wait3A_609 : memref<128x128xf32, #tpu.memory_space<vmem>>) dst(%dma_wait3A_605 : memref<128x128xf32, #tpu.memory_space<hbm>>)
      %mul3A_610 = arith.constant 128 : i32
      %mul3A_611 = arith.muli %add3A_588, %mul3A_610 : i32
      %dma_start3A_612 = arith.constant 1 : i32
      %dma_start3A_613 = arith.constant 1 : i32
      %dma_start3A_614 = arith.constant 0 : i32
      %dma_start3A_615 = arith.constant 0 : i32
      %dma_start3A_616 = tpu.memref_slice %arg6[%dma_start3A_612, %dma_start3A_614, %dma_start3A_615] : memref<6x128x128xf32, #tpu.memory_space<vmem>> -> memref<1x128x128xf32, #tpu.memory_space<vmem>>
      %dma_start3A_617 = tpu.memref_squeeze %dma_start3A_616 : memref<1x128x128xf32, #tpu.memory_space<vmem>> -> memref<128x128xf32, #tpu.memory_space<vmem>>
      %dma_start3A_618 = tpu.memref_slice %arg5[%mul3A_611] : memref<25600xi32, #tpu.memory_space<vmem>> -> memref<128xi32, #tpu.memory_space<vmem>>
      %dma_start3A_619 = arith.constant 0 : i32
      %dma_start3A_620 = arith.constant 0 : i32
      %dma_start3A_621 = tpu.memref_slice %arg2[%dma_start3A_619, %dma_start3A_620] : memref<100000x128xf32, #tpu.memory_space<hbm>> -> memref<100000x128xf32, #tpu.memory_space<hbm>>
      %dma_start3A_622 = tpu.memref_slice %arg7[%dma_start3A_613] : memref<6x!tpu.dma_semaphore, #tpu.memory_space<semaphore_mem>> -> memref<1x!tpu.dma_semaphore, #tpu.memory_space<semaphore_mem>>
      %dma_start3A_623 = tpu.memref_squeeze %dma_start3A_622 : memref<1x!tpu.dma_semaphore, #tpu.memory_space<semaphore_mem>> -> memref<!tpu.dma_semaphore, #tpu.memory_space<semaphore_mem>>
      tpu.enqueue_indirect_dma source(%dma_start3A_621 : memref<100000x128xf32, #tpu.memory_space<hbm>>) target(%dma_start3A_617 : memref<128x128xf32, #tpu.memory_space<vmem>>) offsets(%dma_start3A_618 : memref<128xi32, #tpu.memory_space<vmem>>) semaphore(%dma_start3A_623 : memref<!tpu.dma_semaphore, #tpu.memory_space<semaphore_mem>>)
      %sub3A_624 = arith.constant 4 : i32
      %sub3A_625 = arith.subi %add3A_588, %sub3A_624 : i32
      %mul3A_626 = arith.constant 128 : i32
      %mul3A_627 = arith.muli %sub3A_625, %mul3A_626 : i32
      %dma_wait3A_628 = arith.constant 3 : i32
      %dma_wait3A_629 = arith.constant 3 : i32
      %dma_wait3A_630 = arith.constant 0 : i32
      %dma_wait3A_631 = arith.constant 0 : i32
      %dma_wait3A_632 = tpu.memref_slice %arg6[%dma_wait3A_628, %dma_wait3A_630, %dma_wait3A_631] : memref<6x128x128xf32, #tpu.memory_space<vmem>> -> memref<1x128x128xf32, #tpu.memory_space<vmem>>
      %dma_wait3A_633 = tpu.memref_squeeze %dma_wait3A_632 : memref<1x128x128xf32, #tpu.memory_space<vmem>> -> memref<128x128xf32, #tpu.memory_space<vmem>>
      %dma_wait3A_634 = tpu.memref_slice %arg5[%mul3A_627] : memref<25600xi32, #tpu.memory_space<vmem>> -> memref<128xi32, #tpu.memory_space<vmem>>
      %dma_wait3A_635 = arith.constant 0 : i32
      %dma_wait3A_636 = arith.constant 0 : i32
      %dma_wait3A_637 = tpu.memref_slice %arg2[%dma_wait3A_635, %dma_wait3A_636] : memref<100000x128xf32, #tpu.memory_space<hbm>> -> memref<100000x128xf32, #tpu.memory_space<hbm>>
      %dma_wait3A_638 = tpu.memref_slice %arg7[%dma_wait3A_629] : memref<6x!tpu.dma_semaphore, #tpu.memory_space<semaphore_mem>> -> memref<1x!tpu.dma_semaphore, #tpu.memory_space<semaphore_mem>>
      %dma_wait3A_639 = tpu.memref_squeeze %dma_wait3A_638 : memref<1x!tpu.dma_semaphore, #tpu.memory_space<semaphore_mem>> -> memref<!tpu.dma_semaphore, #tpu.memory_space<semaphore_mem>>
      tpu.wait_indirect_dma semaphore(%dma_wait3A_639 : memref<!tpu.dma_semaphore, #tpu.memory_space<semaphore_mem>>) src(%dma_wait3A_637 : memref<100000x128xf32, #tpu.memory_space<hbm>>) dst(%dma_wait3A_633 : memref<128x128xf32, #tpu.memory_space<vmem>>)
      %sub3A_640 = arith.constant 4 : i32
      %sub3A_641 = arith.subi %add3A_588, %sub3A_640 : i32
      %mul3A_642 = arith.constant 128 : i32
      %mul3A_643 = arith.muli %sub3A_641, %mul3A_642 : i32
      %add3A_644 = arith.addi %mul3A_2, %mul3A_643 : i32
      %dma_start3A_645 = arith.constant 3 : i32
      %dma_start3A_646 = arith.constant 3 : i32
      %dma_start3A_647 = arith.constant 0 : i32
      %dma_start3A_648 = arith.constant 0 : i32
      %dma_start3A_649 = tpu.memref_slice %arg6[%dma_start3A_645, %dma_start3A_647, %dma_start3A_648] : memref<6x128x128xf32, #tpu.memory_space<vmem>> -> memref<1x128x128xf32, #tpu.memory_space<vmem>>
      %dma_start3A_650 = tpu.memref_squeeze %dma_start3A_649 : memref<1x128x128xf32, #tpu.memory_space<vmem>> -> memref<128x128xf32, #tpu.memory_space<vmem>>
      %dma_start3A_651 = arith.constant 0 : i32
      %dma_start3A_652 = tpu.memref_slice %arg4[%add3A_644, %dma_start3A_651] : memref<819200x128xf32, #tpu.memory_space<hbm>> -> memref<128x128xf32, #tpu.memory_space<hbm>>
      %dma_start3A_653 = tpu.memref_slice %arg8[%dma_start3A_646] : memref<6x!tpu.dma_semaphore, #tpu.memory_space<semaphore_mem>> -> memref<1x!tpu.dma_semaphore, #tpu.memory_space<semaphore_mem>>
      %dma_start3A_654 = tpu.memref_squeeze %dma_start3A_653 : memref<1x!tpu.dma_semaphore, #tpu.memory_space<semaphore_mem>> -> memref<!tpu.dma_semaphore, #tpu.memory_space<semaphore_mem>>
      %dma_start3A_655 = arith.constant 0 : i32
      %dma_start3A_656 = tpu.memref_slice %arg4[%add3A_644, %dma_start3A_655] : memref<819200x128xf32, #tpu.memory_space<hbm>> -> memref<128x128xf32, #tpu.memory_space<hbm>>
      %dma_start3A_657 = arith.constant 0 : i32
      %dma_start3A_658 = arith.constant 0 : i32
      %dma_start3A_659 = tpu.memref_slice %arg6[%dma_start3A_645, %dma_start3A_657, %dma_start3A_658] : memref<6x128x128xf32, #tpu.memory_space<vmem>> -> memref<1x128x128xf32, #tpu.memory_space<vmem>>
      %dma_start3A_660 = tpu.memref_squeeze %dma_start3A_659 : memref<1x128x128xf32, #tpu.memory_space<vmem>> -> memref<128x128xf32, #tpu.memory_space<vmem>>
      tpu.enqueue_dma source(%dma_start3A_660 : memref<128x128xf32, #tpu.memory_space<vmem>>) target(%dma_start3A_656 : memref<128x128xf32, #tpu.memory_space<hbm>>) target_semaphore(%dma_start3A_654 : memref<!tpu.dma_semaphore, #tpu.memory_space<semaphore_mem>>)
      %mul3A_661 = arith.constant 6 : i32
      %mul3A_662 = arith.muli %add3A_509, %mul3A_661 : i32
      %add3A_663 = arith.constant 2 : i32
      %add3A_664 = arith.addi %mul3A_662, %add3A_663 : i32
      %sub3A_665 = arith.constant 6 : i32
      %sub3A_666 = arith.subi %add3A_664, %sub3A_665 : i32
      %mul3A_667 = arith.constant 128 : i32
      %mul3A_668 = arith.muli %sub3A_666, %mul3A_667 : i32
      %add3A_669 = arith.addi %mul3A_2, %mul3A_668 : i32
      %dma_wait3A_670 = arith.constant 2 : i32
      %dma_wait3A_671 = arith.constant 2 : i32
      %dma_wait3A_672 = arith.constant 0 : i32
      %dma_wait3A_673 = arith.constant 0 : i32
      %dma_wait3A_674 = tpu.memref_slice %arg6[%dma_wait3A_670, %dma_wait3A_672, %dma_wait3A_673] : memref<6x128x128xf32, #tpu.memory_space<vmem>> -> memref<1x128x128xf32, #tpu.memory_space<vmem>>
      %dma_wait3A_675 = tpu.memref_squeeze %dma_wait3A_674 : memref<1x128x128xf32, #tpu.memory_space<vmem>> -> memref<128x128xf32, #tpu.memory_space<vmem>>
      %dma_wait3A_676 = arith.constant 0 : i32
      %dma_wait3A_677 = tpu.memref_slice %arg4[%add3A_669, %dma_wait3A_676] : memref<819200x128xf32, #tpu.memory_space<hbm>> -> memref<128x128xf32, #tpu.memory_space<hbm>>
      %dma_wait3A_678 = tpu.memref_slice %arg8[%dma_wait3A_671] : memref<6x!tpu.dma_semaphore, #tpu.memory_space<semaphore_mem>> -> memref<1x!tpu.dma_semaphore, #tpu.memory_space<semaphore_mem>>
      %dma_wait3A_679 = tpu.memref_squeeze %dma_wait3A_678 : memref<1x!tpu.dma_semaphore, #tpu.memory_space<semaphore_mem>> -> memref<!tpu.dma_semaphore, #tpu.memory_space<semaphore_mem>>
      %dma_wait3A_680 = arith.constant 0 : i32
      %dma_wait3A_681 = tpu.memref_slice %arg4[%add3A_669, %dma_wait3A_680] : memref<819200x128xf32, #tpu.memory_space<hbm>> -> memref<128x128xf32, #tpu.memory_space<hbm>>
      %dma_wait3A_682 = arith.constant 0 : i32
      %dma_wait3A_683 = arith.constant 0 : i32
      %dma_wait3A_684 = tpu.memref_slice %arg6[%dma_wait3A_670, %dma_wait3A_682, %dma_wait3A_683] : memref<6x128x128xf32, #tpu.memory_space<vmem>> -> memref<1x128x128xf32, #tpu.memory_space<vmem>>
      %dma_wait3A_685 = tpu.memref_squeeze %dma_wait3A_684 : memref<1x128x128xf32, #tpu.memory_space<vmem>> -> memref<128x128xf32, #tpu.memory_space<vmem>>
      tpu.wait_dma2 semaphore(%dma_wait3A_679 : memref<!tpu.dma_semaphore, #tpu.memory_space<semaphore_mem>>) src(%dma_wait3A_685 : memref<128x128xf32, #tpu.memory_space<vmem>>) dst(%dma_wait3A_681 : memref<128x128xf32, #tpu.memory_space<hbm>>)
      %mul3A_686 = arith.constant 128 : i32
      %mul3A_687 = arith.muli %add3A_664, %mul3A_686 : i32
      %dma_start3A_688 = arith.constant 2 : i32
      %dma_start3A_689 = arith.constant 2 : i32
      %dma_start3A_690 = arith.constant 0 : i32
      %dma_start3A_691 = arith.constant 0 : i32
      %dma_start3A_692 = tpu.memref_slice %arg6[%dma_start3A_688, %dma_start3A_690, %dma_start3A_691] : memref<6x128x128xf32, #tpu.memory_space<vmem>> -> memref<1x128x128xf32, #tpu.memory_space<vmem>>
      %dma_start3A_693 = tpu.memref_squeeze %dma_start3A_692 : memref<1x128x128xf32, #tpu.memory_space<vmem>> -> memref<128x128xf32, #tpu.memory_space<vmem>>
      %dma_start3A_694 = tpu.memref_slice %arg5[%mul3A_687] : memref<25600xi32, #tpu.memory_space<vmem>> -> memref<128xi32, #tpu.memory_space<vmem>>
      %dma_start3A_695 = arith.constant 0 : i32
      %dma_start3A_696 = arith.constant 0 : i32
      %dma_start3A_697 = tpu.memref_slice %arg2[%dma_start3A_695, %dma_start3A_696] : memref<100000x128xf32, #tpu.memory_space<hbm>> -> memref<100000x128xf32, #tpu.memory_space<hbm>>
      %dma_start3A_698 = tpu.memref_slice %arg7[%dma_start3A_689] : memref<6x!tpu.dma_semaphore, #tpu.memory_space<semaphore_mem>> -> memref<1x!tpu.dma_semaphore, #tpu.memory_space<semaphore_mem>>
      %dma_start3A_699 = tpu.memref_squeeze %dma_start3A_698 : memref<1x!tpu.dma_semaphore, #tpu.memory_space<semaphore_mem>> -> memref<!tpu.dma_semaphore, #tpu.memory_space<semaphore_mem>>
      tpu.enqueue_indirect_dma source(%dma_start3A_697 : memref<100000x128xf32, #tpu.memory_space<hbm>>) target(%dma_start3A_693 : memref<128x128xf32, #tpu.memory_space<vmem>>) offsets(%dma_start3A_694 : memref<128xi32, #tpu.memory_space<vmem>>) semaphore(%dma_start3A_699 : memref<!tpu.dma_semaphore, #tpu.memory_space<semaphore_mem>>)
      %sub3A_700 = arith.constant 4 : i32
      %sub3A_701 = arith.subi %add3A_664, %sub3A_700 : i32
      %mul3A_702 = arith.constant 128 : i32
      %mul3A_703 = arith.muli %sub3A_701, %mul3A_702 : i32
      %dma_wait3A_704 = arith.constant 4 : i32
      %dma_wait3A_705 = arith.constant 4 : i32
      %dma_wait3A_706 = arith.constant 0 : i32
      %dma_wait3A_707 = arith.constant 0 : i32
      %dma_wait3A_708 = tpu.memref_slice %arg6[%dma_wait3A_704, %dma_wait3A_706, %dma_wait3A_707] : memref<6x128x128xf32, #tpu.memory_space<vmem>> -> memref<1x128x128xf32, #tpu.memory_space<vmem>>
      %dma_wait3A_709 = tpu.memref_squeeze %dma_wait3A_708 : memref<1x128x128xf32, #tpu.memory_space<vmem>> -> memref<128x128xf32, #tpu.memory_space<vmem>>
      %dma_wait3A_710 = tpu.memref_slice %arg5[%mul3A_703] : memref<25600xi32, #tpu.memory_space<vmem>> -> memref<128xi32, #tpu.memory_space<vmem>>
      %dma_wait3A_711 = arith.constant 0 : i32
      %dma_wait3A_712 = arith.constant 0 : i32
      %dma_wait3A_713 = tpu.memref_slice %arg2[%dma_wait3A_711, %dma_wait3A_712] : memref<100000x128xf32, #tpu.memory_space<hbm>> -> memref<100000x128xf32, #tpu.memory_space<hbm>>
      %dma_wait3A_714 = tpu.memref_slice %arg7[%dma_wait3A_705] : memref<6x!tpu.dma_semaphore, #tpu.memory_space<semaphore_mem>> -> memref<1x!tpu.dma_semaphore, #tpu.memory_space<semaphore_mem>>
      %dma_wait3A_715 = tpu.memref_squeeze %dma_wait3A_714 : memref<1x!tpu.dma_semaphore, #tpu.memory_space<semaphore_mem>> -> memref<!tpu.dma_semaphore, #tpu.memory_space<semaphore_mem>>
      tpu.wait_indirect_dma semaphore(%dma_wait3A_715 : memref<!tpu.dma_semaphore, #tpu.memory_space<semaphore_mem>>) src(%dma_wait3A_713 : memref<100000x128xf32, #tpu.memory_space<hbm>>) dst(%dma_wait3A_709 : memref<128x128xf32, #tpu.memory_space<vmem>>)
      %sub3A_716 = arith.constant 4 : i32
      %sub3A_717 = arith.subi %add3A_664, %sub3A_716 : i32
      %mul3A_718 = arith.constant 128 : i32
      %mul3A_719 = arith.muli %sub3A_717, %mul3A_718 : i32
      %add3A_720 = arith.addi %mul3A_2, %mul3A_719 : i32
      %dma_start3A_721 = arith.constant 4 : i32
      %dma_start3A_722 = arith.constant 4 : i32
      %dma_start3A_723 = arith.constant 0 : i32
      %dma_start3A_724 = arith.constant 0 : i32
      %dma_start3A_725 = tpu.memref_slice %arg6[%dma_start3A_721, %dma_start3A_723, %dma_start3A_724] : memref<6x128x128xf32, #tpu.memory_space<vmem>> -> memref<1x128x128xf32, #tpu.memory_space<vmem>>
      %dma_start3A_726 = tpu.memref_squeeze %dma_start3A_725 : memref<1x128x128xf32, #tpu.memory_space<vmem>> -> memref<128x128xf32, #tpu.memory_space<vmem>>
      %dma_start3A_727 = arith.constant 0 : i32
      %dma_start3A_728 = tpu.memref_slice %arg4[%add3A_720, %dma_start3A_727] : memref<819200x128xf32, #tpu.memory_space<hbm>> -> memref<128x128xf32, #tpu.memory_space<hbm>>
      %dma_start3A_729 = tpu.memref_slice %arg8[%dma_start3A_722] : memref<6x!tpu.dma_semaphore, #tpu.memory_space<semaphore_mem>> -> memref<1x!tpu.dma_semaphore, #tpu.memory_space<semaphore_mem>>
      %dma_start3A_730 = tpu.memref_squeeze %dma_start3A_729 : memref<1x!tpu.dma_semaphore, #tpu.memory_space<semaphore_mem>> -> memref<!tpu.dma_semaphore, #tpu.memory_space<semaphore_mem>>
      %dma_start3A_731 = arith.constant 0 : i32
      %dma_start3A_732 = tpu.memref_slice %arg4[%add3A_720, %dma_start3A_731] : memref<819200x128xf32, #tpu.memory_space<hbm>> -> memref<128x128xf32, #tpu.memory_space<hbm>>
      %dma_start3A_733 = arith.constant 0 : i32
      %dma_start3A_734 = arith.constant 0 : i32
      %dma_start3A_735 = tpu.memref_slice %arg6[%dma_start3A_721, %dma_start3A_733, %dma_start3A_734] : memref<6x128x128xf32, #tpu.memory_space<vmem>> -> memref<1x128x128xf32, #tpu.memory_space<vmem>>
      %dma_start3A_736 = tpu.memref_squeeze %dma_start3A_735 : memref<1x128x128xf32, #tpu.memory_space<vmem>> -> memref<128x128xf32, #tpu.memory_space<vmem>>
      tpu.enqueue_dma source(%dma_start3A_736 : memref<128x128xf32, #tpu.memory_space<vmem>>) target(%dma_start3A_732 : memref<128x128xf32, #tpu.memory_space<hbm>>) target_semaphore(%dma_start3A_730 : memref<!tpu.dma_semaphore, #tpu.memory_space<semaphore_mem>>)
      %mul3A_737 = arith.constant 6 : i32
      %mul3A_738 = arith.muli %add3A_509, %mul3A_737 : i32
      %add3A_739 = arith.constant 3 : i32
      %add3A_740 = arith.addi %mul3A_738, %add3A_739 : i32
      %sub3A_741 = arith.constant 6 : i32
      %sub3A_742 = arith.subi %add3A_740, %sub3A_741 : i32
      %mul3A_743 = arith.constant 128 : i32
      %mul3A_744 = arith.muli %sub3A_742, %mul3A_743 : i32
      %add3A_745 = arith.addi %mul3A_2, %mul3A_744 : i32
      %dma_wait3A_746 = arith.constant 3 : i32
      %dma_wait3A_747 = arith.constant 3 : i32
      %dma_wait3A_748 = arith.constant 0 : i32
      %dma_wait3A_749 = arith.constant 0 : i32
      %dma_wait3A_750 = tpu.memref_slice %arg6[%dma_wait3A_746, %dma_wait3A_748, %dma_wait3A_749] : memref<6x128x128xf32, #tpu.memory_space<vmem>> -> memref<1x128x128xf32, #tpu.memory_space<vmem>>
      %dma_wait3A_751 = tpu.memref_squeeze %dma_wait3A_750 : memref<1x128x128xf32, #tpu.memory_space<vmem>> -> memref<128x128xf32, #tpu.memory_space<vmem>>
      %dma_wait3A_752 = arith.constant 0 : i32
      %dma_wait3A_753 = tpu.memref_slice %arg4[%add3A_745, %dma_wait3A_752] : memref<819200x128xf32, #tpu.memory_space<hbm>> -> memref<128x128xf32, #tpu.memory_space<hbm>>
      %dma_wait3A_754 = tpu.memref_slice %arg8[%dma_wait3A_747] : memref<6x!tpu.dma_semaphore, #tpu.memory_space<semaphore_mem>> -> memref<1x!tpu.dma_semaphore, #tpu.memory_space<semaphore_mem>>
      %dma_wait3A_755 = tpu.memref_squeeze %dma_wait3A_754 : memref<1x!tpu.dma_semaphore, #tpu.memory_space<semaphore_mem>> -> memref<!tpu.dma_semaphore, #tpu.memory_space<semaphore_mem>>
      %dma_wait3A_756 = arith.constant 0 : i32
      %dma_wait3A_757 = tpu.memref_slice %arg4[%add3A_745, %dma_wait3A_756] : memref<819200x128xf32, #tpu.memory_space<hbm>> -> memref<128x128xf32, #tpu.memory_space<hbm>>
      %dma_wait3A_758 = arith.constant 0 : i32
      %dma_wait3A_759 = arith.constant 0 : i32
      %dma_wait3A_760 = tpu.memref_slice %arg6[%dma_wait3A_746, %dma_wait3A_758, %dma_wait3A_759] : memref<6x128x128xf32, #tpu.memory_space<vmem>> -> memref<1x128x128xf32, #tpu.memory_space<vmem>>
      %dma_wait3A_761 = tpu.memref_squeeze %dma_wait3A_760 : memref<1x128x128xf32, #tpu.memory_space<vmem>> -> memref<128x128xf32, #tpu.memory_space<vmem>>
      tpu.wait_dma2 semaphore(%dma_wait3A_755 : memref<!tpu.dma_semaphore, #tpu.memory_space<semaphore_mem>>) src(%dma_wait3A_761 : memref<128x128xf32, #tpu.memory_space<vmem>>) dst(%dma_wait3A_757 : memref<128x128xf32, #tpu.memory_space<hbm>>)
      %mul3A_762 = arith.constant 128 : i32
      %mul3A_763 = arith.muli %add3A_740, %mul3A_762 : i32
      %dma_start3A_764 = arith.constant 3 : i32
      %dma_start3A_765 = arith.constant 3 : i32
      %dma_start3A_766 = arith.constant 0 : i32
      %dma_start3A_767 = arith.constant 0 : i32
      %dma_start3A_768 = tpu.memref_slice %arg6[%dma_start3A_764, %dma_start3A_766, %dma_start3A_767] : memref<6x128x128xf32, #tpu.memory_space<vmem>> -> memref<1x128x128xf32, #tpu.memory_space<vmem>>
      %dma_start3A_769 = tpu.memref_squeeze %dma_start3A_768 : memref<1x128x128xf32, #tpu.memory_space<vmem>> -> memref<128x128xf32, #tpu.memory_space<vmem>>
      %dma_start3A_770 = tpu.memref_slice %arg5[%mul3A_763] : memref<25600xi32, #tpu.memory_space<vmem>> -> memref<128xi32, #tpu.memory_space<vmem>>
      %dma_start3A_771 = arith.constant 0 : i32
      %dma_start3A_772 = arith.constant 0 : i32
      %dma_start3A_773 = tpu.memref_slice %arg2[%dma_start3A_771, %dma_start3A_772] : memref<100000x128xf32, #tpu.memory_space<hbm>> -> memref<100000x128xf32, #tpu.memory_space<hbm>>
      %dma_start3A_774 = tpu.memref_slice %arg7[%dma_start3A_765] : memref<6x!tpu.dma_semaphore, #tpu.memory_space<semaphore_mem>> -> memref<1x!tpu.dma_semaphore, #tpu.memory_space<semaphore_mem>>
      %dma_start3A_775 = tpu.memref_squeeze %dma_start3A_774 : memref<1x!tpu.dma_semaphore, #tpu.memory_space<semaphore_mem>> -> memref<!tpu.dma_semaphore, #tpu.memory_space<semaphore_mem>>
      tpu.enqueue_indirect_dma source(%dma_start3A_773 : memref<100000x128xf32, #tpu.memory_space<hbm>>) target(%dma_start3A_769 : memref<128x128xf32, #tpu.memory_space<vmem>>) offsets(%dma_start3A_770 : memref<128xi32, #tpu.memory_space<vmem>>) semaphore(%dma_start3A_775 : memref<!tpu.dma_semaphore, #tpu.memory_space<semaphore_mem>>)
      %sub3A_776 = arith.constant 4 : i32
      %sub3A_777 = arith.subi %add3A_740, %sub3A_776 : i32
      %mul3A_778 = arith.constant 128 : i32
      %mul3A_779 = arith.muli %sub3A_777, %mul3A_778 : i32
      %dma_wait3A_780 = arith.constant 5 : i32
      %dma_wait3A_781 = arith.constant 5 : i32
      %dma_wait3A_782 = arith.constant 0 : i32
      %dma_wait3A_783 = arith.constant 0 : i32
      %dma_wait3A_784 = tpu.memref_slice %arg6[%dma_wait3A_780, %dma_wait3A_782, %dma_wait3A_783] : memref<6x128x128xf32, #tpu.memory_space<vmem>> -> memref<1x128x128xf32, #tpu.memory_space<vmem>>
      %dma_wait3A_785 = tpu.memref_squeeze %dma_wait3A_784 : memref<1x128x128xf32, #tpu.memory_space<vmem>> -> memref<128x128xf32, #tpu.memory_space<vmem>>
      %dma_wait3A_786 = tpu.memref_slice %arg5[%mul3A_779] : memref<25600xi32, #tpu.memory_space<vmem>> -> memref<128xi32, #tpu.memory_space<vmem>>
      %dma_wait3A_787 = arith.constant 0 : i32
      %dma_wait3A_788 = arith.constant 0 : i32
      %dma_wait3A_789 = tpu.memref_slice %arg2[%dma_wait3A_787, %dma_wait3A_788] : memref<100000x128xf32, #tpu.memory_space<hbm>> -> memref<100000x128xf32, #tpu.memory_space<hbm>>
      %dma_wait3A_790 = tpu.memref_slice %arg7[%dma_wait3A_781] : memref<6x!tpu.dma_semaphore, #tpu.memory_space<semaphore_mem>> -> memref<1x!tpu.dma_semaphore, #tpu.memory_space<semaphore_mem>>
      %dma_wait3A_791 = tpu.memref_squeeze %dma_wait3A_790 : memref<1x!tpu.dma_semaphore, #tpu.memory_space<semaphore_mem>> -> memref<!tpu.dma_semaphore, #tpu.memory_space<semaphore_mem>>
      tpu.wait_indirect_dma semaphore(%dma_wait3A_791 : memref<!tpu.dma_semaphore, #tpu.memory_space<semaphore_mem>>) src(%dma_wait3A_789 : memref<100000x128xf32, #tpu.memory_space<hbm>>) dst(%dma_wait3A_785 : memref<128x128xf32, #tpu.memory_space<vmem>>)
      %sub3A_792 = arith.constant 4 : i32
      %sub3A_793 = arith.subi %add3A_740, %sub3A_792 : i32
      %mul3A_794 = arith.constant 128 : i32
      %mul3A_795 = arith.muli %sub3A_793, %mul3A_794 : i32
      %add3A_796 = arith.addi %mul3A_2, %mul3A_795 : i32
      %dma_start3A_797 = arith.constant 5 : i32
      %dma_start3A_798 = arith.constant 5 : i32
      %dma_start3A_799 = arith.constant 0 : i32
      %dma_start3A_800 = arith.constant 0 : i32
      %dma_start3A_801 = tpu.memref_slice %arg6[%dma_start3A_797, %dma_start3A_799, %dma_start3A_800] : memref<6x128x128xf32, #tpu.memory_space<vmem>> -> memref<1x128x128xf32, #tpu.memory_space<vmem>>
      %dma_start3A_802 = tpu.memref_squeeze %dma_start3A_801 : memref<1x128x128xf32, #tpu.memory_space<vmem>> -> memref<128x128xf32, #tpu.memory_space<vmem>>
      %dma_start3A_803 = arith.constant 0 : i32
      %dma_start3A_804 = tpu.memref_slice %arg4[%add3A_796, %dma_start3A_803] : memref<819200x128xf32, #tpu.memory_space<hbm>> -> memref<128x128xf32, #tpu.memory_space<hbm>>
      %dma_start3A_805 = tpu.memref_slice %arg8[%dma_start3A_798] : memref<6x!tpu.dma_semaphore, #tpu.memory_space<semaphore_mem>> -> memref<1x!tpu.dma_semaphore, #tpu.memory_space<semaphore_mem>>
      %dma_start3A_806 = tpu.memref_squeeze %dma_start3A_805 : memref<1x!tpu.dma_semaphore, #tpu.memory_space<semaphore_mem>> -> memref<!tpu.dma_semaphore, #tpu.memory_space<semaphore_mem>>
      %dma_start3A_807 = arith.constant 0 : i32
      %dma_start3A_808 = tpu.memref_slice %arg4[%add3A_796, %dma_start3A_807] : memref<819200x128xf32, #tpu.memory_space<hbm>> -> memref<128x128xf32, #tpu.memory_space<hbm>>
      %dma_start3A_809 = arith.constant 0 : i32
      %dma_start3A_810 = arith.constant 0 : i32
      %dma_start3A_811 = tpu.memref_slice %arg6[%dma_start3A_797, %dma_start3A_809, %dma_start3A_810] : memref<6x128x128xf32, #tpu.memory_space<vmem>> -> memref<1x128x128xf32, #tpu.memory_space<vmem>>
      %dma_start3A_812 = tpu.memref_squeeze %dma_start3A_811 : memref<1x128x128xf32, #tpu.memory_space<vmem>> -> memref<128x128xf32, #tpu.memory_space<vmem>>
      tpu.enqueue_dma source(%dma_start3A_812 : memref<128x128xf32, #tpu.memory_space<vmem>>) target(%dma_start3A_808 : memref<128x128xf32, #tpu.memory_space<hbm>>) target_semaphore(%dma_start3A_806 : memref<!tpu.dma_semaphore, #tpu.memory_space<semaphore_mem>>)
      %mul3A_813 = arith.constant 6 : i32
      %mul3A_814 = arith.muli %add3A_509, %mul3A_813 : i32
      %add3A_815 = arith.constant 4 : i32
      %add3A_816 = arith.addi %mul3A_814, %add3A_815 : i32
      %sub3A_817 = arith.constant 6 : i32
      %sub3A_818 = arith.subi %add3A_816, %sub3A_817 : i32
      %mul3A_819 = arith.constant 128 : i32
      %mul3A_820 = arith.muli %sub3A_818, %mul3A_819 : i32
      %add3A_821 = arith.addi %mul3A_2, %mul3A_820 : i32
      %dma_wait3A_822 = arith.constant 4 : i32
      %dma_wait3A_823 = arith.constant 4 : i32
      %dma_wait3A_824 = arith.constant 0 : i32
      %dma_wait3A_825 = arith.constant 0 : i32
      %dma_wait3A_826 = tpu.memref_slice %arg6[%dma_wait3A_822, %dma_wait3A_824, %dma_wait3A_825] : memref<6x128x128xf32, #tpu.memory_space<vmem>> -> memref<1x128x128xf32, #tpu.memory_space<vmem>>
      %dma_wait3A_827 = tpu.memref_squeeze %dma_wait3A_826 : memref<1x128x128xf32, #tpu.memory_space<vmem>> -> memref<128x128xf32, #tpu.memory_space<vmem>>
      %dma_wait3A_828 = arith.constant 0 : i32
      %dma_wait3A_829 = tpu.memref_slice %arg4[%add3A_821, %dma_wait3A_828] : memref<819200x128xf32, #tpu.memory_space<hbm>> -> memref<128x128xf32, #tpu.memory_space<hbm>>
      %dma_wait3A_830 = tpu.memref_slice %arg8[%dma_wait3A_823] : memref<6x!tpu.dma_semaphore, #tpu.memory_space<semaphore_mem>> -> memref<1x!tpu.dma_semaphore, #tpu.memory_space<semaphore_mem>>
      %dma_wait3A_831 = tpu.memref_squeeze %dma_wait3A_830 : memref<1x!tpu.dma_semaphore, #tpu.memory_space<semaphore_mem>> -> memref<!tpu.dma_semaphore, #tpu.memory_space<semaphore_mem>>
      %dma_wait3A_832 = arith.constant 0 : i32
      %dma_wait3A_833 = tpu.memref_slice %arg4[%add3A_821, %dma_wait3A_832] : memref<819200x128xf32, #tpu.memory_space<hbm>> -> memref<128x128xf32, #tpu.memory_space<hbm>>
      %dma_wait3A_834 = arith.constant 0 : i32
      %dma_wait3A_835 = arith.constant 0 : i32
      %dma_wait3A_836 = tpu.memref_slice %arg6[%dma_wait3A_822, %dma_wait3A_834, %dma_wait3A_835] : memref<6x128x128xf32, #tpu.memory_space<vmem>> -> memref<1x128x128xf32, #tpu.memory_space<vmem>>
      %dma_wait3A_837 = tpu.memref_squeeze %dma_wait3A_836 : memref<1x128x128xf32, #tpu.memory_space<vmem>> -> memref<128x128xf32, #tpu.memory_space<vmem>>
      tpu.wait_dma2 semaphore(%dma_wait3A_831 : memref<!tpu.dma_semaphore, #tpu.memory_space<semaphore_mem>>) src(%dma_wait3A_837 : memref<128x128xf32, #tpu.memory_space<vmem>>) dst(%dma_wait3A_833 : memref<128x128xf32, #tpu.memory_space<hbm>>)
      %mul3A_838 = arith.constant 128 : i32
      %mul3A_839 = arith.muli %add3A_816, %mul3A_838 : i32
      %dma_start3A_840 = arith.constant 4 : i32
      %dma_start3A_841 = arith.constant 4 : i32
      %dma_start3A_842 = arith.constant 0 : i32
      %dma_start3A_843 = arith.constant 0 : i32
      %dma_start3A_844 = tpu.memref_slice %arg6[%dma_start3A_840, %dma_start3A_842, %dma_start3A_843] : memref<6x128x128xf32, #tpu.memory_space<vmem>> -> memref<1x128x128xf32, #tpu.memory_space<vmem>>
      %dma_start3A_845 = tpu.memref_squeeze %dma_start3A_844 : memref<1x128x128xf32, #tpu.memory_space<vmem>> -> memref<128x128xf32, #tpu.memory_space<vmem>>
      %dma_start3A_846 = tpu.memref_slice %arg5[%mul3A_839] : memref<25600xi32, #tpu.memory_space<vmem>> -> memref<128xi32, #tpu.memory_space<vmem>>
      %dma_start3A_847 = arith.constant 0 : i32
      %dma_start3A_848 = arith.constant 0 : i32
      %dma_start3A_849 = tpu.memref_slice %arg2[%dma_start3A_847, %dma_start3A_848] : memref<100000x128xf32, #tpu.memory_space<hbm>> -> memref<100000x128xf32, #tpu.memory_space<hbm>>
      %dma_start3A_850 = tpu.memref_slice %arg7[%dma_start3A_841] : memref<6x!tpu.dma_semaphore, #tpu.memory_space<semaphore_mem>> -> memref<1x!tpu.dma_semaphore, #tpu.memory_space<semaphore_mem>>
      %dma_start3A_851 = tpu.memref_squeeze %dma_start3A_850 : memref<1x!tpu.dma_semaphore, #tpu.memory_space<semaphore_mem>> -> memref<!tpu.dma_semaphore, #tpu.memory_space<semaphore_mem>>
      tpu.enqueue_indirect_dma source(%dma_start3A_849 : memref<100000x128xf32, #tpu.memory_space<hbm>>) target(%dma_start3A_845 : memref<128x128xf32, #tpu.memory_space<vmem>>) offsets(%dma_start3A_846 : memref<128xi32, #tpu.memory_space<vmem>>) semaphore(%dma_start3A_851 : memref<!tpu.dma_semaphore, #tpu.memory_space<semaphore_mem>>)
      %sub3A_852 = arith.constant 4 : i32
      %sub3A_853 = arith.subi %add3A_816, %sub3A_852 : i32
      %mul3A_854 = arith.constant 128 : i32
      %mul3A_855 = arith.muli %sub3A_853, %mul3A_854 : i32
      %dma_wait3A_856 = arith.constant 0 : i32
      %dma_wait3A_857 = arith.constant 0 : i32
      %dma_wait3A_858 = arith.constant 0 : i32
      %dma_wait3A_859 = arith.constant 0 : i32
      %dma_wait3A_860 = tpu.memref_slice %arg6[%dma_wait3A_856, %dma_wait3A_858, %dma_wait3A_859] : memref<6x128x128xf32, #tpu.memory_space<vmem>> -> memref<1x128x128xf32, #tpu.memory_space<vmem>>
      %dma_wait3A_861 = tpu.memref_squeeze %dma_wait3A_860 : memref<1x128x128xf32, #tpu.memory_space<vmem>> -> memref<128x128xf32, #tpu.memory_space<vmem>>
      %dma_wait3A_862 = tpu.memref_slice %arg5[%mul3A_855] : memref<25600xi32, #tpu.memory_space<vmem>> -> memref<128xi32, #tpu.memory_space<vmem>>
      %dma_wait3A_863 = arith.constant 0 : i32
      %dma_wait3A_864 = arith.constant 0 : i32
      %dma_wait3A_865 = tpu.memref_slice %arg2[%dma_wait3A_863, %dma_wait3A_864] : memref<100000x128xf32, #tpu.memory_space<hbm>> -> memref<100000x128xf32, #tpu.memory_space<hbm>>
      %dma_wait3A_866 = tpu.memref_slice %arg7[%dma_wait3A_857] : memref<6x!tpu.dma_semaphore, #tpu.memory_space<semaphore_mem>> -> memref<1x!tpu.dma_semaphore, #tpu.memory_space<semaphore_mem>>
      %dma_wait3A_867 = tpu.memref_squeeze %dma_wait3A_866 : memref<1x!tpu.dma_semaphore, #tpu.memory_space<semaphore_mem>> -> memref<!tpu.dma_semaphore, #tpu.memory_space<semaphore_mem>>
      tpu.wait_indirect_dma semaphore(%dma_wait3A_867 : memref<!tpu.dma_semaphore, #tpu.memory_space<semaphore_mem>>) src(%dma_wait3A_865 : memref<100000x128xf32, #tpu.memory_space<hbm>>) dst(%dma_wait3A_861 : memref<128x128xf32, #tpu.memory_space<vmem>>)
      %sub3A_868 = arith.constant 4 : i32
      %sub3A_869 = arith.subi %add3A_816, %sub3A_868 : i32
      %mul3A_870 = arith.constant 128 : i32
      %mul3A_871 = arith.muli %sub3A_869, %mul3A_870 : i32
      %add3A_872 = arith.addi %mul3A_2, %mul3A_871 : i32
      %dma_start3A_873 = arith.constant 0 : i32
      %dma_start3A_874 = arith.constant 0 : i32
      %dma_start3A_875 = arith.constant 0 : i32
      %dma_start3A_876 = arith.constant 0 : i32
      %dma_start3A_877 = tpu.memref_slice %arg6[%dma_start3A_873, %dma_start3A_875, %dma_start3A_876] : memref<6x128x128xf32, #tpu.memory_space<vmem>> -> memref<1x128x128xf32, #tpu.memory_space<vmem>>
      %dma_start3A_878 = tpu.memref_squeeze %dma_start3A_877 : memref<1x128x128xf32, #tpu.memory_space<vmem>> -> memref<128x128xf32, #tpu.memory_space<vmem>>
      %dma_start3A_879 = arith.constant 0 : i32
      %dma_start3A_880 = tpu.memref_slice %arg4[%add3A_872, %dma_start3A_879] : memref<819200x128xf32, #tpu.memory_space<hbm>> -> memref<128x128xf32, #tpu.memory_space<hbm>>
      %dma_start3A_881 = tpu.memref_slice %arg8[%dma_start3A_874] : memref<6x!tpu.dma_semaphore, #tpu.memory_space<semaphore_mem>> -> memref<1x!tpu.dma_semaphore, #tpu.memory_space<semaphore_mem>>
      %dma_start3A_882 = tpu.memref_squeeze %dma_start3A_881 : memref<1x!tpu.dma_semaphore, #tpu.memory_space<semaphore_mem>> -> memref<!tpu.dma_semaphore, #tpu.memory_space<semaphore_mem>>
      %dma_start3A_883 = arith.constant 0 : i32
      %dma_start3A_884 = tpu.memref_slice %arg4[%add3A_872, %dma_start3A_883] : memref<819200x128xf32, #tpu.memory_space<hbm>> -> memref<128x128xf32, #tpu.memory_space<hbm>>
      %dma_start3A_885 = arith.constant 0 : i32
      %dma_start3A_886 = arith.constant 0 : i32
      %dma_start3A_887 = tpu.memref_slice %arg6[%dma_start3A_873, %dma_start3A_885, %dma_start3A_886] : memref<6x128x128xf32, #tpu.memory_space<vmem>> -> memref<1x128x128xf32, #tpu.memory_space<vmem>>
      %dma_start3A_888 = tpu.memref_squeeze %dma_start3A_887 : memref<1x128x128xf32, #tpu.memory_space<vmem>> -> memref<128x128xf32, #tpu.memory_space<vmem>>
      tpu.enqueue_dma source(%dma_start3A_888 : memref<128x128xf32, #tpu.memory_space<vmem>>) target(%dma_start3A_884 : memref<128x128xf32, #tpu.memory_space<hbm>>) target_semaphore(%dma_start3A_882 : memref<!tpu.dma_semaphore, #tpu.memory_space<semaphore_mem>>)
      %mul3A_889 = arith.constant 6 : i32
      %mul3A_890 = arith.muli %add3A_509, %mul3A_889 : i32
      %add3A_891 = arith.constant 5 : i32
      %add3A_892 = arith.addi %mul3A_890, %add3A_891 : i32
      %sub3A_893 = arith.constant 6 : i32
      %sub3A_894 = arith.subi %add3A_892, %sub3A_893 : i32
      %mul3A_895 = arith.constant 128 : i32
      %mul3A_896 = arith.muli %sub3A_894, %mul3A_895 : i32
      %add3A_897 = arith.addi %mul3A_2, %mul3A_896 : i32
      %dma_wait3A_898 = arith.constant 5 : i32
      %dma_wait3A_899 = arith.constant 5 : i32
      %dma_wait3A_900 = arith.constant 0 : i32
      %dma_wait3A_901 = arith.constant 0 : i32
      %dma_wait3A_902 = tpu.memref_slice %arg6[%dma_wait3A_898, %dma_wait3A_900, %dma_wait3A_901] : memref<6x128x128xf32, #tpu.memory_space<vmem>> -> memref<1x128x128xf32, #tpu.memory_space<vmem>>
      %dma_wait3A_903 = tpu.memref_squeeze %dma_wait3A_902 : memref<1x128x128xf32, #tpu.memory_space<vmem>> -> memref<128x128xf32, #tpu.memory_space<vmem>>
      %dma_wait3A_904 = arith.constant 0 : i32
      %dma_wait3A_905 = tpu.memref_slice %arg4[%add3A_897, %dma_wait3A_904] : memref<819200x128xf32, #tpu.memory_space<hbm>> -> memref<128x128xf32, #tpu.memory_space<hbm>>
      %dma_wait3A_906 = tpu.memref_slice %arg8[%dma_wait3A_899] : memref<6x!tpu.dma_semaphore, #tpu.memory_space<semaphore_mem>> -> memref<1x!tpu.dma_semaphore, #tpu.memory_space<semaphore_mem>>
      %dma_wait3A_907 = tpu.memref_squeeze %dma_wait3A_906 : memref<1x!tpu.dma_semaphore, #tpu.memory_space<semaphore_mem>> -> memref<!tpu.dma_semaphore, #tpu.memory_space<semaphore_mem>>
      %dma_wait3A_908 = arith.constant 0 : i32
      %dma_wait3A_909 = tpu.memref_slice %arg4[%add3A_897, %dma_wait3A_908] : memref<819200x128xf32, #tpu.memory_space<hbm>> -> memref<128x128xf32, #tpu.memory_space<hbm>>
      %dma_wait3A_910 = arith.constant 0 : i32
      %dma_wait3A_911 = arith.constant 0 : i32
      %dma_wait3A_912 = tpu.memref_slice %arg6[%dma_wait3A_898, %dma_wait3A_910, %dma_wait3A_911] : memref<6x128x128xf32, #tpu.memory_space<vmem>> -> memref<1x128x128xf32, #tpu.memory_space<vmem>>
      %dma_wait3A_913 = tpu.memref_squeeze %dma_wait3A_912 : memref<1x128x128xf32, #tpu.memory_space<vmem>> -> memref<128x128xf32, #tpu.memory_space<vmem>>
      tpu.wait_dma2 semaphore(%dma_wait3A_907 : memref<!tpu.dma_semaphore, #tpu.memory_space<semaphore_mem>>) src(%dma_wait3A_913 : memref<128x128xf32, #tpu.memory_space<vmem>>) dst(%dma_wait3A_909 : memref<128x128xf32, #tpu.memory_space<hbm>>)
      %mul3A_914 = arith.constant 128 : i32
      %mul3A_915 = arith.muli %add3A_892, %mul3A_914 : i32
      %dma_start3A_916 = arith.constant 5 : i32
      %dma_start3A_917 = arith.constant 5 : i32
      %dma_start3A_918 = arith.constant 0 : i32
      %dma_start3A_919 = arith.constant 0 : i32
      %dma_start3A_920 = tpu.memref_slice %arg6[%dma_start3A_916, %dma_start3A_918, %dma_start3A_919] : memref<6x128x128xf32, #tpu.memory_space<vmem>> -> memref<1x128x128xf32, #tpu.memory_space<vmem>>
      %dma_start3A_921 = tpu.memref_squeeze %dma_start3A_920 : memref<1x128x128xf32, #tpu.memory_space<vmem>> -> memref<128x128xf32, #tpu.memory_space<vmem>>
      %dma_start3A_922 = tpu.memref_slice %arg5[%mul3A_915] : memref<25600xi32, #tpu.memory_space<vmem>> -> memref<128xi32, #tpu.memory_space<vmem>>
      %dma_start3A_923 = arith.constant 0 : i32
      %dma_start3A_924 = arith.constant 0 : i32
      %dma_start3A_925 = tpu.memref_slice %arg2[%dma_start3A_923, %dma_start3A_924] : memref<100000x128xf32, #tpu.memory_space<hbm>> -> memref<100000x128xf32, #tpu.memory_space<hbm>>
      %dma_start3A_926 = tpu.memref_slice %arg7[%dma_start3A_917] : memref<6x!tpu.dma_semaphore, #tpu.memory_space<semaphore_mem>> -> memref<1x!tpu.dma_semaphore, #tpu.memory_space<semaphore_mem>>
      %dma_start3A_927 = tpu.memref_squeeze %dma_start3A_926 : memref<1x!tpu.dma_semaphore, #tpu.memory_space<semaphore_mem>> -> memref<!tpu.dma_semaphore, #tpu.memory_space<semaphore_mem>>
      tpu.enqueue_indirect_dma source(%dma_start3A_925 : memref<100000x128xf32, #tpu.memory_space<hbm>>) target(%dma_start3A_921 : memref<128x128xf32, #tpu.memory_space<vmem>>) offsets(%dma_start3A_922 : memref<128xi32, #tpu.memory_space<vmem>>) semaphore(%dma_start3A_927 : memref<!tpu.dma_semaphore, #tpu.memory_space<semaphore_mem>>)
      %sub3A_928 = arith.constant 4 : i32
      %sub3A_929 = arith.subi %add3A_892, %sub3A_928 : i32
      %mul3A_930 = arith.constant 128 : i32
      %mul3A_931 = arith.muli %sub3A_929, %mul3A_930 : i32
      %dma_wait3A_932 = arith.constant 1 : i32
      %dma_wait3A_933 = arith.constant 1 : i32
      %dma_wait3A_934 = arith.constant 0 : i32
      %dma_wait3A_935 = arith.constant 0 : i32
      %dma_wait3A_936 = tpu.memref_slice %arg6[%dma_wait3A_932, %dma_wait3A_934, %dma_wait3A_935] : memref<6x128x128xf32, #tpu.memory_space<vmem>> -> memref<1x128x128xf32, #tpu.memory_space<vmem>>
      %dma_wait3A_937 = tpu.memref_squeeze %dma_wait3A_936 : memref<1x128x128xf32, #tpu.memory_space<vmem>> -> memref<128x128xf32, #tpu.memory_space<vmem>>
      %dma_wait3A_938 = tpu.memref_slice %arg5[%mul3A_931] : memref<25600xi32, #tpu.memory_space<vmem>> -> memref<128xi32, #tpu.memory_space<vmem>>
      %dma_wait3A_939 = arith.constant 0 : i32
      %dma_wait3A_940 = arith.constant 0 : i32
      %dma_wait3A_941 = tpu.memref_slice %arg2[%dma_wait3A_939, %dma_wait3A_940] : memref<100000x128xf32, #tpu.memory_space<hbm>> -> memref<100000x128xf32, #tpu.memory_space<hbm>>
      %dma_wait3A_942 = tpu.memref_slice %arg7[%dma_wait3A_933] : memref<6x!tpu.dma_semaphore, #tpu.memory_space<semaphore_mem>> -> memref<1x!tpu.dma_semaphore, #tpu.memory_space<semaphore_mem>>
      %dma_wait3A_943 = tpu.memref_squeeze %dma_wait3A_942 : memref<1x!tpu.dma_semaphore, #tpu.memory_space<semaphore_mem>> -> memref<!tpu.dma_semaphore, #tpu.memory_space<semaphore_mem>>
      tpu.wait_indirect_dma semaphore(%dma_wait3A_943 : memref<!tpu.dma_semaphore, #tpu.memory_space<semaphore_mem>>) src(%dma_wait3A_941 : memref<100000x128xf32, #tpu.memory_space<hbm>>) dst(%dma_wait3A_937 : memref<128x128xf32, #tpu.memory_space<vmem>>)
      %sub3A_944 = arith.constant 4 : i32
      %sub3A_945 = arith.subi %add3A_892, %sub3A_944 : i32
      %mul3A_946 = arith.constant 128 : i32
      %mul3A_947 = arith.muli %sub3A_945, %mul3A_946 : i32
      %add3A_948 = arith.addi %mul3A_2, %mul3A_947 : i32
      %dma_start3A_949 = arith.constant 1 : i32
      %dma_start3A_950 = arith.constant 1 : i32
      %dma_start3A_951 = arith.constant 0 : i32
      %dma_start3A_952 = arith.constant 0 : i32
      %dma_start3A_953 = tpu.memref_slice %arg6[%dma_start3A_949, %dma_start3A_951, %dma_start3A_952] : memref<6x128x128xf32, #tpu.memory_space<vmem>> -> memref<1x128x128xf32, #tpu.memory_space<vmem>>
      %dma_start3A_954 = tpu.memref_squeeze %dma_start3A_953 : memref<1x128x128xf32, #tpu.memory_space<vmem>> -> memref<128x128xf32, #tpu.memory_space<vmem>>
      %dma_start3A_955 = arith.constant 0 : i32
      %dma_start3A_956 = tpu.memref_slice %arg4[%add3A_948, %dma_start3A_955] : memref<819200x128xf32, #tpu.memory_space<hbm>> -> memref<128x128xf32, #tpu.memory_space<hbm>>
      %dma_start3A_957 = tpu.memref_slice %arg8[%dma_start3A_950] : memref<6x!tpu.dma_semaphore, #tpu.memory_space<semaphore_mem>> -> memref<1x!tpu.dma_semaphore, #tpu.memory_space<semaphore_mem>>
      %dma_start3A_958 = tpu.memref_squeeze %dma_start3A_957 : memref<1x!tpu.dma_semaphore, #tpu.memory_space<semaphore_mem>> -> memref<!tpu.dma_semaphore, #tpu.memory_space<semaphore_mem>>
      %dma_start3A_959 = arith.constant 0 : i32
      %dma_start3A_960 = tpu.memref_slice %arg4[%add3A_948, %dma_start3A_959] : memref<819200x128xf32, #tpu.memory_space<hbm>> -> memref<128x128xf32, #tpu.memory_space<hbm>>
      %dma_start3A_961 = arith.constant 0 : i32
      %dma_start3A_962 = arith.constant 0 : i32
      %dma_start3A_963 = tpu.memref_slice %arg6[%dma_start3A_949, %dma_start3A_961, %dma_start3A_962] : memref<6x128x128xf32, #tpu.memory_space<vmem>> -> memref<1x128x128xf32, #tpu.memory_space<vmem>>
      %dma_start3A_964 = tpu.memref_squeeze %dma_start3A_963 : memref<1x128x128xf32, #tpu.memory_space<vmem>> -> memref<128x128xf32, #tpu.memory_space<vmem>>
      tpu.enqueue_dma source(%dma_start3A_964 : memref<128x128xf32, #tpu.memory_space<vmem>>) target(%dma_start3A_960 : memref<128x128xf32, #tpu.memory_space<hbm>>) target_semaphore(%dma_start3A_958 : memref<!tpu.dma_semaphore, #tpu.memory_space<semaphore_mem>>)
    }
    %scan3A_148 = arith.constant 32 : i32
    %add3A_149 = arith.constant 24576 : i32
    %add3A_150 = arith.addi %mul3A_2, %add3A_149 : i32
    %dma_wait3A_151 = arith.constant 0 : i32
    %dma_wait3A_152 = arith.constant 0 : i32
    %dma_wait3A_153 = arith.constant 0 : i32
    %dma_wait3A_154 = arith.constant 0 : i32
    %dma_wait3A_155 = tpu.memref_slice %arg6[%dma_wait3A_151, %dma_wait3A_153, %dma_wait3A_154] : memref<6x128x128xf32, #tpu.memory_space<vmem>> -> memref<1x128x128xf32, #tpu.memory_space<vmem>>
    %dma_wait3A_156 = tpu.memref_squeeze %dma_wait3A_155 : memref<1x128x128xf32, #tpu.memory_space<vmem>> -> memref<128x128xf32, #tpu.memory_space<vmem>>
    %dma_wait3A_157 = arith.constant 0 : i32
    %dma_wait3A_158 = tpu.memref_slice %arg4[%add3A_150, %dma_wait3A_157] : memref<819200x128xf32, #tpu.memory_space<hbm>> -> memref<128x128xf32, #tpu.memory_space<hbm>>
    %dma_wait3A_159 = tpu.memref_slice %arg8[%dma_wait3A_152] : memref<6x!tpu.dma_semaphore, #tpu.memory_space<semaphore_mem>> -> memref<1x!tpu.dma_semaphore, #tpu.memory_space<semaphore_mem>>
    %dma_wait3A_160 = tpu.memref_squeeze %dma_wait3A_159 : memref<1x!tpu.dma_semaphore, #tpu.memory_space<semaphore_mem>> -> memref<!tpu.dma_semaphore, #tpu.memory_space<semaphore_mem>>
    %dma_wait3A_161 = arith.constant 0 : i32
    %dma_wait3A_162 = tpu.memref_slice %arg4[%add3A_150, %dma_wait3A_161] : memref<819200x128xf32, #tpu.memory_space<hbm>> -> memref<128x128xf32, #tpu.memory_space<hbm>>
    %dma_wait3A_163 = arith.constant 0 : i32
    %dma_wait3A_164 = arith.constant 0 : i32
    %dma_wait3A_165 = tpu.memref_slice %arg6[%dma_wait3A_151, %dma_wait3A_163, %dma_wait3A_164] : memref<6x128x128xf32, #tpu.memory_space<vmem>> -> memref<1x128x128xf32, #tpu.memory_space<vmem>>
    %dma_wait3A_166 = tpu.memref_squeeze %dma_wait3A_165 : memref<1x128x128xf32, #tpu.memory_space<vmem>> -> memref<128x128xf32, #tpu.memory_space<vmem>>
    tpu.wait_dma2 semaphore(%dma_wait3A_160 : memref<!tpu.dma_semaphore, #tpu.memory_space<semaphore_mem>>) src(%dma_wait3A_166 : memref<128x128xf32, #tpu.memory_space<vmem>>) dst(%dma_wait3A_162 : memref<128x128xf32, #tpu.memory_space<hbm>>)
    %dma_start3A_167 = arith.constant 0 : i32
    %dma_start3A_168 = arith.constant 0 : i32
    %dma_start3A_169 = arith.constant 0 : i32
    %dma_start3A_170 = arith.constant 0 : i32
    %dma_start3A_171 = tpu.memref_slice %arg6[%dma_start3A_167, %dma_start3A_169, %dma_start3A_170] : memref<6x128x128xf32, #tpu.memory_space<vmem>> -> memref<1x128x128xf32, #tpu.memory_space<vmem>>
    %dma_start3A_172 = tpu.memref_squeeze %dma_start3A_171 : memref<1x128x128xf32, #tpu.memory_space<vmem>> -> memref<128x128xf32, #tpu.memory_space<vmem>>
    %dma_start3A_173 = arith.constant 25344 : i32
    %dma_start3A_174 = tpu.memref_slice %arg5[%dma_start3A_173] : memref<25600xi32, #tpu.memory_space<vmem>> -> memref<128xi32, #tpu.memory_space<vmem>>
    %dma_start3A_175 = arith.constant 0 : i32
    %dma_start3A_176 = arith.constant 0 : i32
    %dma_start3A_177 = tpu.memref_slice %arg2[%dma_start3A_175, %dma_start3A_176] : memref<100000x128xf32, #tpu.memory_space<hbm>> -> memref<100000x128xf32, #tpu.memory_space<hbm>>
    %dma_start3A_178 = tpu.memref_slice %arg7[%dma_start3A_168] : memref<6x!tpu.dma_semaphore, #tpu.memory_space<semaphore_mem>> -> memref<1x!tpu.dma_semaphore, #tpu.memory_space<semaphore_mem>>
    %dma_start3A_179 = tpu.memref_squeeze %dma_start3A_178 : memref<1x!tpu.dma_semaphore, #tpu.memory_space<semaphore_mem>> -> memref<!tpu.dma_semaphore, #tpu.memory_space<semaphore_mem>>
    tpu.enqueue_indirect_dma source(%dma_start3A_177 : memref<100000x128xf32, #tpu.memory_space<hbm>>) target(%dma_start3A_172 : memref<128x128xf32, #tpu.memory_space<vmem>>) offsets(%dma_start3A_174 : memref<128xi32, #tpu.memory_space<vmem>>) semaphore(%dma_start3A_179 : memref<!tpu.dma_semaphore, #tpu.memory_space<semaphore_mem>>)
    %dma_wait3A_180 = arith.constant 2 : i32
    %dma_wait3A_181 = arith.constant 2 : i32
    %dma_wait3A_182 = arith.constant 0 : i32
    %dma_wait3A_183 = arith.constant 0 : i32
    %dma_wait3A_184 = tpu.memref_slice %arg6[%dma_wait3A_180, %dma_wait3A_182, %dma_wait3A_183] : memref<6x128x128xf32, #tpu.memory_space<vmem>> -> memref<1x128x128xf32, #tpu.memory_space<vmem>>
    %dma_wait3A_185 = tpu.memref_squeeze %dma_wait3A_184 : memref<1x128x128xf32, #tpu.memory_space<vmem>> -> memref<128x128xf32, #tpu.memory_space<vmem>>
    %dma_wait3A_186 = arith.constant 24832 : i32
    %dma_wait3A_187 = tpu.memref_slice %arg5[%dma_wait3A_186] : memref<25600xi32, #tpu.memory_space<vmem>> -> memref<128xi32, #tpu.memory_space<vmem>>
    %dma_wait3A_188 = arith.constant 0 : i32
    %dma_wait3A_189 = arith.constant 0 : i32
    %dma_wait3A_190 = tpu.memref_slice %arg2[%dma_wait3A_188, %dma_wait3A_189] : memref<100000x128xf32, #tpu.memory_space<hbm>> -> memref<100000x128xf32, #tpu.memory_space<hbm>>
    %dma_wait3A_191 = tpu.memref_slice %arg7[%dma_wait3A_181] : memref<6x!tpu.dma_semaphore, #tpu.memory_space<semaphore_mem>> -> memref<1x!tpu.dma_semaphore, #tpu.memory_space<semaphore_mem>>
    %dma_wait3A_192 = tpu.memref_squeeze %dma_wait3A_191 : memref<1x!tpu.dma_semaphore, #tpu.memory_space<semaphore_mem>> -> memref<!tpu.dma_semaphore, #tpu.memory_space<semaphore_mem>>
    tpu.wait_indirect_dma semaphore(%dma_wait3A_192 : memref<!tpu.dma_semaphore, #tpu.memory_space<semaphore_mem>>) src(%dma_wait3A_190 : memref<100000x128xf32, #tpu.memory_space<hbm>>) dst(%dma_wait3A_185 : memref<128x128xf32, #tpu.memory_space<vmem>>)
    %add3A_193 = arith.constant 24832 : i32
    %add3A_194 = arith.addi %mul3A_2, %add3A_193 : i32
    %dma_start3A_195 = arith.constant 2 : i32
    %dma_start3A_196 = arith.constant 2 : i32
    %dma_start3A_197 = arith.constant 0 : i32
    %dma_start3A_198 = arith.constant 0 : i32
    %dma_start3A_199 = tpu.memref_slice %arg6[%dma_start3A_195, %dma_start3A_197, %dma_start3A_198] : memref<6x128x128xf32, #tpu.memory_space<vmem>> -> memref<1x128x128xf32, #tpu.memory_space<vmem>>
    %dma_start3A_200 = tpu.memref_squeeze %dma_start3A_199 : memref<1x128x128xf32, #tpu.memory_space<vmem>> -> memref<128x128xf32, #tpu.memory_space<vmem>>
    %dma_start3A_201 = arith.constant 0 : i32
    %dma_start3A_202 = tpu.memref_slice %arg4[%add3A_194, %dma_start3A_201] : memref<819200x128xf32, #tpu.memory_space<hbm>> -> memref<128x128xf32, #tpu.memory_space<hbm>>
    %dma_start3A_203 = tpu.memref_slice %arg8[%dma_start3A_196] : memref<6x!tpu.dma_semaphore, #tpu.memory_space<semaphore_mem>> -> memref<1x!tpu.dma_semaphore, #tpu.memory_space<semaphore_mem>>
    %dma_start3A_204 = tpu.memref_squeeze %dma_start3A_203 : memref<1x!tpu.dma_semaphore, #tpu.memory_space<semaphore_mem>> -> memref<!tpu.dma_semaphore, #tpu.memory_space<semaphore_mem>>
    %dma_start3A_205 = arith.constant 0 : i32
    %dma_start3A_206 = tpu.memref_slice %arg4[%add3A_194, %dma_start3A_205] : memref<819200x128xf32, #tpu.memory_space<hbm>> -> memref<128x128xf32, #tpu.memory_space<hbm>>
    %dma_start3A_207 = arith.constant 0 : i32
    %dma_start3A_208 = arith.constant 0 : i32
    %dma_start3A_209 = tpu.memref_slice %arg6[%dma_start3A_195, %dma_start3A_207, %dma_start3A_208] : memref<6x128x128xf32, #tpu.memory_space<vmem>> -> memref<1x128x128xf32, #tpu.memory_space<vmem>>
    %dma_start3A_210 = tpu.memref_squeeze %dma_start3A_209 : memref<1x128x128xf32, #tpu.memory_space<vmem>> -> memref<128x128xf32, #tpu.memory_space<vmem>>
    tpu.enqueue_dma source(%dma_start3A_210 : memref<128x128xf32, #tpu.memory_space<vmem>>) target(%dma_start3A_206 : memref<128x128xf32, #tpu.memory_space<hbm>>) target_semaphore(%dma_start3A_204 : memref<!tpu.dma_semaphore, #tpu.memory_space<semaphore_mem>>)
    %add3A_211 = arith.constant 24704 : i32
    %add3A_212 = arith.addi %mul3A_2, %add3A_211 : i32
    %dma_wait3A_213 = arith.constant 1 : i32
    %dma_wait3A_214 = arith.constant 1 : i32
    %dma_wait3A_215 = arith.constant 0 : i32
    %dma_wait3A_216 = arith.constant 0 : i32
    %dma_wait3A_217 = tpu.memref_slice %arg6[%dma_wait3A_213, %dma_wait3A_215, %dma_wait3A_216] : memref<6x128x128xf32, #tpu.memory_space<vmem>> -> memref<1x128x128xf32, #tpu.memory_space<vmem>>
    %dma_wait3A_218 = tpu.memref_squeeze %dma_wait3A_217 : memref<1x128x128xf32, #tpu.memory_space<vmem>> -> memref<128x128xf32, #tpu.memory_space<vmem>>
    %dma_wait3A_219 = arith.constant 0 : i32
    %dma_wait3A_220 = tpu.memref_slice %arg4[%add3A_212, %dma_wait3A_219] : memref<819200x128xf32, #tpu.memory_space<hbm>> -> memref<128x128xf32, #tpu.memory_space<hbm>>
    %dma_wait3A_221 = tpu.memref_slice %arg8[%dma_wait3A_214] : memref<6x!tpu.dma_semaphore, #tpu.memory_space<semaphore_mem>> -> memref<1x!tpu.dma_semaphore, #tpu.memory_space<semaphore_mem>>
    %dma_wait3A_222 = tpu.memref_squeeze %dma_wait3A_221 : memref<1x!tpu.dma_semaphore, #tpu.memory_space<semaphore_mem>> -> memref<!tpu.dma_semaphore, #tpu.memory_space<semaphore_mem>>
    %dma_wait3A_223 = arith.constant 0 : i32
    %dma_wait3A_224 = tpu.memref_slice %arg4[%add3A_212, %dma_wait3A_223] : memref<819200x128xf32, #tpu.memory_space<hbm>> -> memref<128x128xf32, #tpu.memory_space<hbm>>
    %dma_wait3A_225 = arith.constant 0 : i32
    %dma_wait3A_226 = arith.constant 0 : i32
    %dma_wait3A_227 = tpu.memref_slice %arg6[%dma_wait3A_213, %dma_wait3A_225, %dma_wait3A_226] : memref<6x128x128xf32, #tpu.memory_space<vmem>> -> memref<1x128x128xf32, #tpu.memory_space<vmem>>
    %dma_wait3A_228 = tpu.memref_squeeze %dma_wait3A_227 : memref<1x128x128xf32, #tpu.memory_space<vmem>> -> memref<128x128xf32, #tpu.memory_space<vmem>>
    tpu.wait_dma2 semaphore(%dma_wait3A_222 : memref<!tpu.dma_semaphore, #tpu.memory_space<semaphore_mem>>) src(%dma_wait3A_228 : memref<128x128xf32, #tpu.memory_space<vmem>>) dst(%dma_wait3A_224 : memref<128x128xf32, #tpu.memory_space<hbm>>)
    %dma_start3A_229 = arith.constant 1 : i32
    %dma_start3A_230 = arith.constant 1 : i32
    %dma_start3A_231 = arith.constant 0 : i32
    %dma_start3A_232 = arith.constant 0 : i32
    %dma_start3A_233 = tpu.memref_slice %arg6[%dma_start3A_229, %dma_start3A_231, %dma_start3A_232] : memref<6x128x128xf32, #tpu.memory_space<vmem>> -> memref<1x128x128xf32, #tpu.memory_space<vmem>>
    %dma_start3A_234 = tpu.memref_squeeze %dma_start3A_233 : memref<1x128x128xf32, #tpu.memory_space<vmem>> -> memref<128x128xf32, #tpu.memory_space<vmem>>
    %dma_start3A_235 = arith.constant 25472 : i32
    %dma_start3A_236 = tpu.memref_slice %arg5[%dma_start3A_235] : memref<25600xi32, #tpu.memory_space<vmem>> -> memref<128xi32, #tpu.memory_space<vmem>>
    %dma_start3A_237 = arith.constant 0 : i32
    %dma_start3A_238 = arith.constant 0 : i32
    %dma_start3A_239 = tpu.memref_slice %arg2[%dma_start3A_237, %dma_start3A_238] : memref<100000x128xf32, #tpu.memory_space<hbm>> -> memref<100000x128xf32, #tpu.memory_space<hbm>>
    %dma_start3A_240 = tpu.memref_slice %arg7[%dma_start3A_230] : memref<6x!tpu.dma_semaphore, #tpu.memory_space<semaphore_mem>> -> memref<1x!tpu.dma_semaphore, #tpu.memory_space<semaphore_mem>>
    %dma_start3A_241 = tpu.memref_squeeze %dma_start3A_240 : memref<1x!tpu.dma_semaphore, #tpu.memory_space<semaphore_mem>> -> memref<!tpu.dma_semaphore, #tpu.memory_space<semaphore_mem>>
    tpu.enqueue_indirect_dma source(%dma_start3A_239 : memref<100000x128xf32, #tpu.memory_space<hbm>>) target(%dma_start3A_234 : memref<128x128xf32, #tpu.memory_space<vmem>>) offsets(%dma_start3A_236 : memref<128xi32, #tpu.memory_space<vmem>>) semaphore(%dma_start3A_241 : memref<!tpu.dma_semaphore, #tpu.memory_space<semaphore_mem>>)
    %dma_wait3A_242 = arith.constant 3 : i32
    %dma_wait3A_243 = arith.constant 3 : i32
    %dma_wait3A_244 = arith.constant 0 : i32
    %dma_wait3A_245 = arith.constant 0 : i32
    %dma_wait3A_246 = tpu.memref_slice %arg6[%dma_wait3A_242, %dma_wait3A_244, %dma_wait3A_245] : memref<6x128x128xf32, #tpu.memory_space<vmem>> -> memref<1x128x128xf32, #tpu.memory_space<vmem>>
    %dma_wait3A_247 = tpu.memref_squeeze %dma_wait3A_246 : memref<1x128x128xf32, #tpu.memory_space<vmem>> -> memref<128x128xf32, #tpu.memory_space<vmem>>
    %dma_wait3A_248 = arith.constant 24960 : i32
    %dma_wait3A_249 = tpu.memref_slice %arg5[%dma_wait3A_248] : memref<25600xi32, #tpu.memory_space<vmem>> -> memref<128xi32, #tpu.memory_space<vmem>>
    %dma_wait3A_250 = arith.constant 0 : i32
    %dma_wait3A_251 = arith.constant 0 : i32
    %dma_wait3A_252 = tpu.memref_slice %arg2[%dma_wait3A_250, %dma_wait3A_251] : memref<100000x128xf32, #tpu.memory_space<hbm>> -> memref<100000x128xf32, #tpu.memory_space<hbm>>
    %dma_wait3A_253 = tpu.memref_slice %arg7[%dma_wait3A_243] : memref<6x!tpu.dma_semaphore, #tpu.memory_space<semaphore_mem>> -> memref<1x!tpu.dma_semaphore, #tpu.memory_space<semaphore_mem>>
    %dma_wait3A_254 = tpu.memref_squeeze %dma_wait3A_253 : memref<1x!tpu.dma_semaphore, #tpu.memory_space<semaphore_mem>> -> memref<!tpu.dma_semaphore, #tpu.memory_space<semaphore_mem>>
    tpu.wait_indirect_dma semaphore(%dma_wait3A_254 : memref<!tpu.dma_semaphore, #tpu.memory_space<semaphore_mem>>) src(%dma_wait3A_252 : memref<100000x128xf32, #tpu.memory_space<hbm>>) dst(%dma_wait3A_247 : memref<128x128xf32, #tpu.memory_space<vmem>>)
    %add3A_255 = arith.constant 24960 : i32
    %add3A_256 = arith.addi %mul3A_2, %add3A_255 : i32
    %dma_start3A_257 = arith.constant 3 : i32
    %dma_start3A_258 = arith.constant 3 : i32
    %dma_start3A_259 = arith.constant 0 : i32
    %dma_start3A_260 = arith.constant 0 : i32
    %dma_start3A_261 = tpu.memref_slice %arg6[%dma_start3A_257, %dma_start3A_259, %dma_start3A_260] : memref<6x128x128xf32, #tpu.memory_space<vmem>> -> memref<1x128x128xf32, #tpu.memory_space<vmem>>
    %dma_start3A_262 = tpu.memref_squeeze %dma_start3A_261 : memref<1x128x128xf32, #tpu.memory_space<vmem>> -> memref<128x128xf32, #tpu.memory_space<vmem>>
    %dma_start3A_263 = arith.constant 0 : i32
    %dma_start3A_264 = tpu.memref_slice %arg4[%add3A_256, %dma_start3A_263] : memref<819200x128xf32, #tpu.memory_space<hbm>> -> memref<128x128xf32, #tpu.memory_space<hbm>>
    %dma_start3A_265 = tpu.memref_slice %arg8[%dma_start3A_258] : memref<6x!tpu.dma_semaphore, #tpu.memory_space<semaphore_mem>> -> memref<1x!tpu.dma_semaphore, #tpu.memory_space<semaphore_mem>>
    %dma_start3A_266 = tpu.memref_squeeze %dma_start3A_265 : memref<1x!tpu.dma_semaphore, #tpu.memory_space<semaphore_mem>> -> memref<!tpu.dma_semaphore, #tpu.memory_space<semaphore_mem>>
    %dma_start3A_267 = arith.constant 0 : i32
    %dma_start3A_268 = tpu.memref_slice %arg4[%add3A_256, %dma_start3A_267] : memref<819200x128xf32, #tpu.memory_space<hbm>> -> memref<128x128xf32, #tpu.memory_space<hbm>>
    %dma_start3A_269 = arith.constant 0 : i32
    %dma_start3A_270 = arith.constant 0 : i32
    %dma_start3A_271 = tpu.memref_slice %arg6[%dma_start3A_257, %dma_start3A_269, %dma_start3A_270] : memref<6x128x128xf32, #tpu.memory_space<vmem>> -> memref<1x128x128xf32, #tpu.memory_space<vmem>>
    %dma_start3A_272 = tpu.memref_squeeze %dma_start3A_271 : memref<1x128x128xf32, #tpu.memory_space<vmem>> -> memref<128x128xf32, #tpu.memory_space<vmem>>
    tpu.enqueue_dma source(%dma_start3A_272 : memref<128x128xf32, #tpu.memory_space<vmem>>) target(%dma_start3A_268 : memref<128x128xf32, #tpu.memory_space<hbm>>) target_semaphore(%dma_start3A_266 : memref<!tpu.dma_semaphore, #tpu.memory_space<semaphore_mem>>)
    %dma_wait3A_273 = arith.constant 4 : i32
    %dma_wait3A_274 = arith.constant 4 : i32
    %dma_wait3A_275 = arith.constant 0 : i32
    %dma_wait3A_276 = arith.constant 0 : i32
    %dma_wait3A_277 = tpu.memref_slice %arg6[%dma_wait3A_273, %dma_wait3A_275, %dma_wait3A_276] : memref<6x128x128xf32, #tpu.memory_space<vmem>> -> memref<1x128x128xf32, #tpu.memory_space<vmem>>
    %dma_wait3A_278 = tpu.memref_squeeze %dma_wait3A_277 : memref<1x128x128xf32, #tpu.memory_space<vmem>> -> memref<128x128xf32, #tpu.memory_space<vmem>>
    %dma_wait3A_279 = arith.constant 25088 : i32
    %dma_wait3A_280 = tpu.memref_slice %arg5[%dma_wait3A_279] : memref<25600xi32, #tpu.memory_space<vmem>> -> memref<128xi32, #tpu.memory_space<vmem>>
    %dma_wait3A_281 = arith.constant 0 : i32
    %dma_wait3A_282 = arith.constant 0 : i32
    %dma_wait3A_283 = tpu.memref_slice %arg2[%dma_wait3A_281, %dma_wait3A_282] : memref<100000x128xf32, #tpu.memory_space<hbm>> -> memref<100000x128xf32, #tpu.memory_space<hbm>>
    %dma_wait3A_284 = tpu.memref_slice %arg7[%dma_wait3A_274] : memref<6x!tpu.dma_semaphore, #tpu.memory_space<semaphore_mem>> -> memref<1x!tpu.dma_semaphore, #tpu.memory_space<semaphore_mem>>
    %dma_wait3A_285 = tpu.memref_squeeze %dma_wait3A_284 : memref<1x!tpu.dma_semaphore, #tpu.memory_space<semaphore_mem>> -> memref<!tpu.dma_semaphore, #tpu.memory_space<semaphore_mem>>
    tpu.wait_indirect_dma semaphore(%dma_wait3A_285 : memref<!tpu.dma_semaphore, #tpu.memory_space<semaphore_mem>>) src(%dma_wait3A_283 : memref<100000x128xf32, #tpu.memory_space<hbm>>) dst(%dma_wait3A_278 : memref<128x128xf32, #tpu.memory_space<vmem>>)
    %add3A_286 = arith.constant 25088 : i32
    %add3A_287 = arith.addi %mul3A_2, %add3A_286 : i32
    %dma_start3A_288 = arith.constant 4 : i32
    %dma_start3A_289 = arith.constant 4 : i32
    %dma_start3A_290 = arith.constant 0 : i32
    %dma_start3A_291 = arith.constant 0 : i32
    %dma_start3A_292 = tpu.memref_slice %arg6[%dma_start3A_288, %dma_start3A_290, %dma_start3A_291] : memref<6x128x128xf32, #tpu.memory_space<vmem>> -> memref<1x128x128xf32, #tpu.memory_space<vmem>>
    %dma_start3A_293 = tpu.memref_squeeze %dma_start3A_292 : memref<1x128x128xf32, #tpu.memory_space<vmem>> -> memref<128x128xf32, #tpu.memory_space<vmem>>
    %dma_start3A_294 = arith.constant 0 : i32
    %dma_start3A_295 = tpu.memref_slice %arg4[%add3A_287, %dma_start3A_294] : memref<819200x128xf32, #tpu.memory_space<hbm>> -> memref<128x128xf32, #tpu.memory_space<hbm>>
    %dma_start3A_296 = tpu.memref_slice %arg8[%dma_start3A_289] : memref<6x!tpu.dma_semaphore, #tpu.memory_space<semaphore_mem>> -> memref<1x!tpu.dma_semaphore, #tpu.memory_space<semaphore_mem>>
    %dma_start3A_297 = tpu.memref_squeeze %dma_start3A_296 : memref<1x!tpu.dma_semaphore, #tpu.memory_space<semaphore_mem>> -> memref<!tpu.dma_semaphore, #tpu.memory_space<semaphore_mem>>
    %dma_start3A_298 = arith.constant 0 : i32
    %dma_start3A_299 = tpu.memref_slice %arg4[%add3A_287, %dma_start3A_298] : memref<819200x128xf32, #tpu.memory_space<hbm>> -> memref<128x128xf32, #tpu.memory_space<hbm>>
    %dma_start3A_300 = arith.constant 0 : i32
    %dma_start3A_301 = arith.constant 0 : i32
    %dma_start3A_302 = tpu.memref_slice %arg6[%dma_start3A_288, %dma_start3A_300, %dma_start3A_301] : memref<6x128x128xf32, #tpu.memory_space<vmem>> -> memref<1x128x128xf32, #tpu.memory_space<vmem>>
    %dma_start3A_303 = tpu.memref_squeeze %dma_start3A_302 : memref<1x128x128xf32, #tpu.memory_space<vmem>> -> memref<128x128xf32, #tpu.memory_space<vmem>>
    tpu.enqueue_dma source(%dma_start3A_303 : memref<128x128xf32, #tpu.memory_space<vmem>>) target(%dma_start3A_299 : memref<128x128xf32, #tpu.memory_space<hbm>>) target_semaphore(%dma_start3A_297 : memref<!tpu.dma_semaphore, #tpu.memory_space<semaphore_mem>>)
    %dma_wait3A_304 = arith.constant 5 : i32
    %dma_wait3A_305 = arith.constant 5 : i32
    %dma_wait3A_306 = arith.constant 0 : i32
    %dma_wait3A_307 = arith.constant 0 : i32
    %dma_wait3A_308 = tpu.memref_slice %arg6[%dma_wait3A_304, %dma_wait3A_306, %dma_wait3A_307] : memref<6x128x128xf32, #tpu.memory_space<vmem>> -> memref<1x128x128xf32, #tpu.memory_space<vmem>>
    %dma_wait3A_309 = tpu.memref_squeeze %dma_wait3A_308 : memref<1x128x128xf32, #tpu.memory_space<vmem>> -> memref<128x128xf32, #tpu.memory_space<vmem>>
    %dma_wait3A_310 = arith.constant 25216 : i32
    %dma_wait3A_311 = tpu.memref_slice %arg5[%dma_wait3A_310] : memref<25600xi32, #tpu.memory_space<vmem>> -> memref<128xi32, #tpu.memory_space<vmem>>
    %dma_wait3A_312 = arith.constant 0 : i32
    %dma_wait3A_313 = arith.constant 0 : i32
    %dma_wait3A_314 = tpu.memref_slice %arg2[%dma_wait3A_312, %dma_wait3A_313] : memref<100000x128xf32, #tpu.memory_space<hbm>> -> memref<100000x128xf32, #tpu.memory_space<hbm>>
    %dma_wait3A_315 = tpu.memref_slice %arg7[%dma_wait3A_305] : memref<6x!tpu.dma_semaphore, #tpu.memory_space<semaphore_mem>> -> memref<1x!tpu.dma_semaphore, #tpu.memory_space<semaphore_mem>>
    %dma_wait3A_316 = tpu.memref_squeeze %dma_wait3A_315 : memref<1x!tpu.dma_semaphore, #tpu.memory_space<semaphore_mem>> -> memref<!tpu.dma_semaphore, #tpu.memory_space<semaphore_mem>>
    tpu.wait_indirect_dma semaphore(%dma_wait3A_316 : memref<!tpu.dma_semaphore, #tpu.memory_space<semaphore_mem>>) src(%dma_wait3A_314 : memref<100000x128xf32, #tpu.memory_space<hbm>>) dst(%dma_wait3A_309 : memref<128x128xf32, #tpu.memory_space<vmem>>)
    %add3A_317 = arith.constant 25216 : i32
    %add3A_318 = arith.addi %mul3A_2, %add3A_317 : i32
    %dma_start3A_319 = arith.constant 5 : i32
    %dma_start3A_320 = arith.constant 5 : i32
    %dma_start3A_321 = arith.constant 0 : i32
    %dma_start3A_322 = arith.constant 0 : i32
    %dma_start3A_323 = tpu.memref_slice %arg6[%dma_start3A_319, %dma_start3A_321, %dma_start3A_322] : memref<6x128x128xf32, #tpu.memory_space<vmem>> -> memref<1x128x128xf32, #tpu.memory_space<vmem>>
    %dma_start3A_324 = tpu.memref_squeeze %dma_start3A_323 : memref<1x128x128xf32, #tpu.memory_space<vmem>> -> memref<128x128xf32, #tpu.memory_space<vmem>>
    %dma_start3A_325 = arith.constant 0 : i32
    %dma_start3A_326 = tpu.memref_slice %arg4[%add3A_318, %dma_start3A_325] : memref<819200x128xf32, #tpu.memory_space<hbm>> -> memref<128x128xf32, #tpu.memory_space<hbm>>
    %dma_start3A_327 = tpu.memref_slice %arg8[%dma_start3A_320] : memref<6x!tpu.dma_semaphore, #tpu.memory_space<semaphore_mem>> -> memref<1x!tpu.dma_semaphore, #tpu.memory_space<semaphore_mem>>
    %dma_start3A_328 = tpu.memref_squeeze %dma_start3A_327 : memref<1x!tpu.dma_semaphore, #tpu.memory_space<semaphore_mem>> -> memref<!tpu.dma_semaphore, #tpu.memory_space<semaphore_mem>>
    %dma_start3A_329 = arith.constant 0 : i32
    %dma_start3A_330 = tpu.memref_slice %arg4[%add3A_318, %dma_start3A_329] : memref<819200x128xf32, #tpu.memory_space<hbm>> -> memref<128x128xf32, #tpu.memory_space<hbm>>
    %dma_start3A_331 = arith.constant 0 : i32
    %dma_start3A_332 = arith.constant 0 : i32
    %dma_start3A_333 = tpu.memref_slice %arg6[%dma_start3A_319, %dma_start3A_331, %dma_start3A_332] : memref<6x128x128xf32, #tpu.memory_space<vmem>> -> memref<1x128x128xf32, #tpu.memory_space<vmem>>
    %dma_start3A_334 = tpu.memref_squeeze %dma_start3A_333 : memref<1x128x128xf32, #tpu.memory_space<vmem>> -> memref<128x128xf32, #tpu.memory_space<vmem>>
    tpu.enqueue_dma source(%dma_start3A_334 : memref<128x128xf32, #tpu.memory_space<vmem>>) target(%dma_start3A_330 : memref<128x128xf32, #tpu.memory_space<hbm>>) target_semaphore(%dma_start3A_328 : memref<!tpu.dma_semaphore, #tpu.memory_space<semaphore_mem>>)
    %dma_wait3A_335 = arith.constant 0 : i32
    %dma_wait3A_336 = arith.constant 0 : i32
    %dma_wait3A_337 = arith.constant 0 : i32
    %dma_wait3A_338 = arith.constant 0 : i32
    %dma_wait3A_339 = tpu.memref_slice %arg6[%dma_wait3A_335, %dma_wait3A_337, %dma_wait3A_338] : memref<6x128x128xf32, #tpu.memory_space<vmem>> -> memref<1x128x128xf32, #tpu.memory_space<vmem>>
    %dma_wait3A_340 = tpu.memref_squeeze %dma_wait3A_339 : memref<1x128x128xf32, #tpu.memory_space<vmem>> -> memref<128x128xf32, #tpu.memory_space<vmem>>
    %dma_wait3A_341 = arith.constant 25344 : i32
    %dma_wait3A_342 = tpu.memref_slice %arg5[%dma_wait3A_341] : memref<25600xi32, #tpu.memory_space<vmem>> -> memref<128xi32, #tpu.memory_space<vmem>>
    %dma_wait3A_343 = arith.constant 0 : i32
    %dma_wait3A_344 = arith.constant 0 : i32
    %dma_wait3A_345 = tpu.memref_slice %arg2[%dma_wait3A_343, %dma_wait3A_344] : memref<100000x128xf32, #tpu.memory_space<hbm>> -> memref<100000x128xf32, #tpu.memory_space<hbm>>
    %dma_wait3A_346 = tpu.memref_slice %arg7[%dma_wait3A_336] : memref<6x!tpu.dma_semaphore, #tpu.memory_space<semaphore_mem>> -> memref<1x!tpu.dma_semaphore, #tpu.memory_space<semaphore_mem>>
    %dma_wait3A_347 = tpu.memref_squeeze %dma_wait3A_346 : memref<1x!tpu.dma_semaphore, #tpu.memory_space<semaphore_mem>> -> memref<!tpu.dma_semaphore, #tpu.memory_space<semaphore_mem>>
    tpu.wait_indirect_dma semaphore(%dma_wait3A_347 : memref<!tpu.dma_semaphore, #tpu.memory_space<semaphore_mem>>) src(%dma_wait3A_345 : memref<100000x128xf32, #tpu.memory_space<hbm>>) dst(%dma_wait3A_340 : memref<128x128xf32, #tpu.memory_space<vmem>>)
    %add3A_348 = arith.constant 25344 : i32
    %add3A_349 = arith.addi %mul3A_2, %add3A_348 : i32
    %dma_start3A_350 = arith.constant 0 : i32
    %dma_start3A_351 = arith.constant 0 : i32
    %dma_start3A_352 = arith.constant 0 : i32
    %dma_start3A_353 = arith.constant 0 : i32
    %dma_start3A_354 = tpu.memref_slice %arg6[%dma_start3A_350, %dma_start3A_352, %dma_start3A_353] : memref<6x128x128xf32, #tpu.memory_space<vmem>> -> memref<1x128x128xf32, #tpu.memory_space<vmem>>
    %dma_start3A_355 = tpu.memref_squeeze %dma_start3A_354 : memref<1x128x128xf32, #tpu.memory_space<vmem>> -> memref<128x128xf32, #tpu.memory_space<vmem>>
    %dma_start3A_356 = arith.constant 0 : i32
    %dma_start3A_357 = tpu.memref_slice %arg4[%add3A_349, %dma_start3A_356] : memref<819200x128xf32, #tpu.memory_space<hbm>> -> memref<128x128xf32, #tpu.memory_space<hbm>>
    %dma_start3A_358 = tpu.memref_slice %arg8[%dma_start3A_351] : memref<6x!tpu.dma_semaphore, #tpu.memory_space<semaphore_mem>> -> memref<1x!tpu.dma_semaphore, #tpu.memory_space<semaphore_mem>>
    %dma_start3A_359 = tpu.memref_squeeze %dma_start3A_358 : memref<1x!tpu.dma_semaphore, #tpu.memory_space<semaphore_mem>> -> memref<!tpu.dma_semaphore, #tpu.memory_space<semaphore_mem>>
    %dma_start3A_360 = arith.constant 0 : i32
    %dma_start3A_361 = tpu.memref_slice %arg4[%add3A_349, %dma_start3A_360] : memref<819200x128xf32, #tpu.memory_space<hbm>> -> memref<128x128xf32, #tpu.memory_space<hbm>>
    %dma_start3A_362 = arith.constant 0 : i32
    %dma_start3A_363 = arith.constant 0 : i32
    %dma_start3A_364 = tpu.memref_slice %arg6[%dma_start3A_350, %dma_start3A_362, %dma_start3A_363] : memref<6x128x128xf32, #tpu.memory_space<vmem>> -> memref<1x128x128xf32, #tpu.memory_space<vmem>>
    %dma_start3A_365 = tpu.memref_squeeze %dma_start3A_364 : memref<1x128x128xf32, #tpu.memory_space<vmem>> -> memref<128x128xf32, #tpu.memory_space<vmem>>
    tpu.enqueue_dma source(%dma_start3A_365 : memref<128x128xf32, #tpu.memory_space<vmem>>) target(%dma_start3A_361 : memref<128x128xf32, #tpu.memory_space<hbm>>) target_semaphore(%dma_start3A_359 : memref<!tpu.dma_semaphore, #tpu.memory_space<semaphore_mem>>)
    %dma_wait3A_366 = arith.constant 1 : i32
    %dma_wait3A_367 = arith.constant 1 : i32
    %dma_wait3A_368 = arith.constant 0 : i32
    %dma_wait3A_369 = arith.constant 0 : i32
    %dma_wait3A_370 = tpu.memref_slice %arg6[%dma_wait3A_366, %dma_wait3A_368, %dma_wait3A_369] : memref<6x128x128xf32, #tpu.memory_space<vmem>> -> memref<1x128x128xf32, #tpu.memory_space<vmem>>
    %dma_wait3A_371 = tpu.memref_squeeze %dma_wait3A_370 : memref<1x128x128xf32, #tpu.memory_space<vmem>> -> memref<128x128xf32, #tpu.memory_space<vmem>>
    %dma_wait3A_372 = arith.constant 25472 : i32
    %dma_wait3A_373 = tpu.memref_slice %arg5[%dma_wait3A_372] : memref<25600xi32, #tpu.memory_space<vmem>> -> memref<128xi32, #tpu.memory_space<vmem>>
    %dma_wait3A_374 = arith.constant 0 : i32
    %dma_wait3A_375 = arith.constant 0 : i32
    %dma_wait3A_376 = tpu.memref_slice %arg2[%dma_wait3A_374, %dma_wait3A_375] : memref<100000x128xf32, #tpu.memory_space<hbm>> -> memref<100000x128xf32, #tpu.memory_space<hbm>>
    %dma_wait3A_377 = tpu.memref_slice %arg7[%dma_wait3A_367] : memref<6x!tpu.dma_semaphore, #tpu.memory_space<semaphore_mem>> -> memref<1x!tpu.dma_semaphore, #tpu.memory_space<semaphore_mem>>
    %dma_wait3A_378 = tpu.memref_squeeze %dma_wait3A_377 : memref<1x!tpu.dma_semaphore, #tpu.memory_space<semaphore_mem>> -> memref<!tpu.dma_semaphore, #tpu.memory_space<semaphore_mem>>
    tpu.wait_indirect_dma semaphore(%dma_wait3A_378 : memref<!tpu.dma_semaphore, #tpu.memory_space<semaphore_mem>>) src(%dma_wait3A_376 : memref<100000x128xf32, #tpu.memory_space<hbm>>) dst(%dma_wait3A_371 : memref<128x128xf32, #tpu.memory_space<vmem>>)
    %add3A_379 = arith.constant 25472 : i32
    %add3A_380 = arith.addi %mul3A_2, %add3A_379 : i32
    %dma_start3A_381 = arith.constant 1 : i32
    %dma_start3A_382 = arith.constant 1 : i32
    %dma_start3A_383 = arith.constant 0 : i32
    %dma_start3A_384 = arith.constant 0 : i32
    %dma_start3A_385 = tpu.memref_slice %arg6[%dma_start3A_381, %dma_start3A_383, %dma_start3A_384] : memref<6x128x128xf32, #tpu.memory_space<vmem>> -> memref<1x128x128xf32, #tpu.memory_space<vmem>>
    %dma_start3A_386 = tpu.memref_squeeze %dma_start3A_385 : memref<1x128x128xf32, #tpu.memory_space<vmem>> -> memref<128x128xf32, #tpu.memory_space<vmem>>
    %dma_start3A_387 = arith.constant 0 : i32
    %dma_start3A_388 = tpu.memref_slice %arg4[%add3A_380, %dma_start3A_387] : memref<819200x128xf32, #tpu.memory_space<hbm>> -> memref<128x128xf32, #tpu.memory_space<hbm>>
    %dma_start3A_389 = tpu.memref_slice %arg8[%dma_start3A_382] : memref<6x!tpu.dma_semaphore, #tpu.memory_space<semaphore_mem>> -> memref<1x!tpu.dma_semaphore, #tpu.memory_space<semaphore_mem>>
    %dma_start3A_390 = tpu.memref_squeeze %dma_start3A_389 : memref<1x!tpu.dma_semaphore, #tpu.memory_space<semaphore_mem>> -> memref<!tpu.dma_semaphore, #tpu.memory_space<semaphore_mem>>
    %dma_start3A_391 = arith.constant 0 : i32
    %dma_start3A_392 = tpu.memref_slice %arg4[%add3A_380, %dma_start3A_391] : memref<819200x128xf32, #tpu.memory_space<hbm>> -> memref<128x128xf32, #tpu.memory_space<hbm>>
    %dma_start3A_393 = arith.constant 0 : i32
    %dma_start3A_394 = arith.constant 0 : i32
    %dma_start3A_395 = tpu.memref_slice %arg6[%dma_start3A_381, %dma_start3A_393, %dma_start3A_394] : memref<6x128x128xf32, #tpu.memory_space<vmem>> -> memref<1x128x128xf32, #tpu.memory_space<vmem>>
    %dma_start3A_396 = tpu.memref_squeeze %dma_start3A_395 : memref<1x128x128xf32, #tpu.memory_space<vmem>> -> memref<128x128xf32, #tpu.memory_space<vmem>>
    tpu.enqueue_dma source(%dma_start3A_396 : memref<128x128xf32, #tpu.memory_space<vmem>>) target(%dma_start3A_392 : memref<128x128xf32, #tpu.memory_space<hbm>>) target_semaphore(%dma_start3A_390 : memref<!tpu.dma_semaphore, #tpu.memory_space<semaphore_mem>>)
    %add3A_397 = arith.constant 24832 : i32
    %add3A_398 = arith.addi %mul3A_2, %add3A_397 : i32
    %dma_wait3A_399 = arith.constant 2 : i32
    %dma_wait3A_400 = arith.constant 2 : i32
    %dma_wait3A_401 = arith.constant 0 : i32
    %dma_wait3A_402 = arith.constant 0 : i32
    %dma_wait3A_403 = tpu.memref_slice %arg6[%dma_wait3A_399, %dma_wait3A_401, %dma_wait3A_402] : memref<6x128x128xf32, #tpu.memory_space<vmem>> -> memref<1x128x128xf32, #tpu.memory_space<vmem>>
    %dma_wait3A_404 = tpu.memref_squeeze %dma_wait3A_403 : memref<1x128x128xf32, #tpu.memory_space<vmem>> -> memref<128x128xf32, #tpu.memory_space<vmem>>
    %dma_wait3A_405 = arith.constant 0 : i32
    %dma_wait3A_406 = tpu.memref_slice %arg4[%add3A_398, %dma_wait3A_405] : memref<819200x128xf32, #tpu.memory_space<hbm>> -> memref<128x128xf32, #tpu.memory_space<hbm>>
    %dma_wait3A_407 = tpu.memref_slice %arg8[%dma_wait3A_400] : memref<6x!tpu.dma_semaphore, #tpu.memory_space<semaphore_mem>> -> memref<1x!tpu.dma_semaphore, #tpu.memory_space<semaphore_mem>>
    %dma_wait3A_408 = tpu.memref_squeeze %dma_wait3A_407 : memref<1x!tpu.dma_semaphore, #tpu.memory_space<semaphore_mem>> -> memref<!tpu.dma_semaphore, #tpu.memory_space<semaphore_mem>>
    %dma_wait3A_409 = arith.constant 0 : i32
    %dma_wait3A_410 = tpu.memref_slice %arg4[%add3A_398, %dma_wait3A_409] : memref<819200x128xf32, #tpu.memory_space<hbm>> -> memref<128x128xf32, #tpu.memory_space<hbm>>
    %dma_wait3A_411 = arith.constant 0 : i32
    %dma_wait3A_412 = arith.constant 0 : i32
    %dma_wait3A_413 = tpu.memref_slice %arg6[%dma_wait3A_399, %dma_wait3A_411, %dma_wait3A_412] : memref<6x128x128xf32, #tpu.memory_space<vmem>> -> memref<1x128x128xf32, #tpu.memory_space<vmem>>
    %dma_wait3A_414 = tpu.memref_squeeze %dma_wait3A_413 : memref<1x128x128xf32, #tpu.memory_space<vmem>> -> memref<128x128xf32, #tpu.memory_space<vmem>>
    tpu.wait_dma2 semaphore(%dma_wait3A_408 : memref<!tpu.dma_semaphore, #tpu.memory_space<semaphore_mem>>) src(%dma_wait3A_414 : memref<128x128xf32, #tpu.memory_space<vmem>>) dst(%dma_wait3A_410 : memref<128x128xf32, #tpu.memory_space<hbm>>)
    %add3A_415 = arith.constant 24960 : i32
    %add3A_416 = arith.addi %mul3A_2, %add3A_415 : i32
    %dma_wait3A_417 = arith.constant 3 : i32
    %dma_wait3A_418 = arith.constant 3 : i32
    %dma_wait3A_419 = arith.constant 0 : i32
    %dma_wait3A_420 = arith.constant 0 : i32
    %dma_wait3A_421 = tpu.memref_slice %arg6[%dma_wait3A_417, %dma_wait3A_419, %dma_wait3A_420] : memref<6x128x128xf32, #tpu.memory_space<vmem>> -> memref<1x128x128xf32, #tpu.memory_space<vmem>>
    %dma_wait3A_422 = tpu.memref_squeeze %dma_wait3A_421 : memref<1x128x128xf32, #tpu.memory_space<vmem>> -> memref<128x128xf32, #tpu.memory_space<vmem>>
    %dma_wait3A_423 = arith.constant 0 : i32
    %dma_wait3A_424 = tpu.memref_slice %arg4[%add3A_416, %dma_wait3A_423] : memref<819200x128xf32, #tpu.memory_space<hbm>> -> memref<128x128xf32, #tpu.memory_space<hbm>>
    %dma_wait3A_425 = tpu.memref_slice %arg8[%dma_wait3A_418] : memref<6x!tpu.dma_semaphore, #tpu.memory_space<semaphore_mem>> -> memref<1x!tpu.dma_semaphore, #tpu.memory_space<semaphore_mem>>
    %dma_wait3A_426 = tpu.memref_squeeze %dma_wait3A_425 : memref<1x!tpu.dma_semaphore, #tpu.memory_space<semaphore_mem>> -> memref<!tpu.dma_semaphore, #tpu.memory_space<semaphore_mem>>
    %dma_wait3A_427 = arith.constant 0 : i32
    %dma_wait3A_428 = tpu.memref_slice %arg4[%add3A_416, %dma_wait3A_427] : memref<819200x128xf32, #tpu.memory_space<hbm>> -> memref<128x128xf32, #tpu.memory_space<hbm>>
    %dma_wait3A_429 = arith.constant 0 : i32
    %dma_wait3A_430 = arith.constant 0 : i32
    %dma_wait3A_431 = tpu.memref_slice %arg6[%dma_wait3A_417, %dma_wait3A_429, %dma_wait3A_430] : memref<6x128x128xf32, #tpu.memory_space<vmem>> -> memref<1x128x128xf32, #tpu.memory_space<vmem>>
    %dma_wait3A_432 = tpu.memref_squeeze %dma_wait3A_431 : memref<1x128x128xf32, #tpu.memory_space<vmem>> -> memref<128x128xf32, #tpu.memory_space<vmem>>
    tpu.wait_dma2 semaphore(%dma_wait3A_426 : memref<!tpu.dma_semaphore, #tpu.memory_space<semaphore_mem>>) src(%dma_wait3A_432 : memref<128x128xf32, #tpu.memory_space<vmem>>) dst(%dma_wait3A_428 : memref<128x128xf32, #tpu.memory_space<hbm>>)
    %add3A_433 = arith.constant 25088 : i32
    %add3A_434 = arith.addi %mul3A_2, %add3A_433 : i32
    %dma_wait3A_435 = arith.constant 4 : i32
    %dma_wait3A_436 = arith.constant 4 : i32
    %dma_wait3A_437 = arith.constant 0 : i32
    %dma_wait3A_438 = arith.constant 0 : i32
    %dma_wait3A_439 = tpu.memref_slice %arg6[%dma_wait3A_435, %dma_wait3A_437, %dma_wait3A_438] : memref<6x128x128xf32, #tpu.memory_space<vmem>> -> memref<1x128x128xf32, #tpu.memory_space<vmem>>
    %dma_wait3A_440 = tpu.memref_squeeze %dma_wait3A_439 : memref<1x128x128xf32, #tpu.memory_space<vmem>> -> memref<128x128xf32, #tpu.memory_space<vmem>>
    %dma_wait3A_441 = arith.constant 0 : i32
    %dma_wait3A_442 = tpu.memref_slice %arg4[%add3A_434, %dma_wait3A_441] : memref<819200x128xf32, #tpu.memory_space<hbm>> -> memref<128x128xf32, #tpu.memory_space<hbm>>
    %dma_wait3A_443 = tpu.memref_slice %arg8[%dma_wait3A_436] : memref<6x!tpu.dma_semaphore, #tpu.memory_space<semaphore_mem>> -> memref<1x!tpu.dma_semaphore, #tpu.memory_space<semaphore_mem>>
    %dma_wait3A_444 = tpu.memref_squeeze %dma_wait3A_443 : memref<1x!tpu.dma_semaphore, #tpu.memory_space<semaphore_mem>> -> memref<!tpu.dma_semaphore, #tpu.memory_space<semaphore_mem>>
    %dma_wait3A_445 = arith.constant 0 : i32
    %dma_wait3A_446 = tpu.memref_slice %arg4[%add3A_434, %dma_wait3A_445] : memref<819200x128xf32, #tpu.memory_space<hbm>> -> memref<128x128xf32, #tpu.memory_space<hbm>>
    %dma_wait3A_447 = arith.constant 0 : i32
    %dma_wait3A_448 = arith.constant 0 : i32
    %dma_wait3A_449 = tpu.memref_slice %arg6[%dma_wait3A_435, %dma_wait3A_447, %dma_wait3A_448] : memref<6x128x128xf32, #tpu.memory_space<vmem>> -> memref<1x128x128xf32, #tpu.memory_space<vmem>>
    %dma_wait3A_450 = tpu.memref_squeeze %dma_wait3A_449 : memref<1x128x128xf32, #tpu.memory_space<vmem>> -> memref<128x128xf32, #tpu.memory_space<vmem>>
    tpu.wait_dma2 semaphore(%dma_wait3A_444 : memref<!tpu.dma_semaphore, #tpu.memory_space<semaphore_mem>>) src(%dma_wait3A_450 : memref<128x128xf32, #tpu.memory_space<vmem>>) dst(%dma_wait3A_446 : memref<128x128xf32, #tpu.memory_space<hbm>>)
    %add3A_451 = arith.constant 25216 : i32
    %add3A_452 = arith.addi %mul3A_2, %add3A_451 : i32
    %dma_wait3A_453 = arith.constant 5 : i32
    %dma_wait3A_454 = arith.constant 5 : i32
    %dma_wait3A_455 = arith.constant 0 : i32
    %dma_wait3A_456 = arith.constant 0 : i32
    %dma_wait3A_457 = tpu.memref_slice %arg6[%dma_wait3A_453, %dma_wait3A_455, %dma_wait3A_456] : memref<6x128x128xf32, #tpu.memory_space<vmem>> -> memref<1x128x128xf32, #tpu.memory_space<vmem>>
    %dma_wait3A_458 = tpu.memref_squeeze %dma_wait3A_457 : memref<1x128x128xf32, #tpu.memory_space<vmem>> -> memref<128x128xf32, #tpu.memory_space<vmem>>
    %dma_wait3A_459 = arith.constant 0 : i32
    %dma_wait3A_460 = tpu.memref_slice %arg4[%add3A_452, %dma_wait3A_459] : memref<819200x128xf32, #tpu.memory_space<hbm>> -> memref<128x128xf32, #tpu.memory_space<hbm>>
    %dma_wait3A_461 = tpu.memref_slice %arg8[%dma_wait3A_454] : memref<6x!tpu.dma_semaphore, #tpu.memory_space<semaphore_mem>> -> memref<1x!tpu.dma_semaphore, #tpu.memory_space<semaphore_mem>>
    %dma_wait3A_462 = tpu.memref_squeeze %dma_wait3A_461 : memref<1x!tpu.dma_semaphore, #tpu.memory_space<semaphore_mem>> -> memref<!tpu.dma_semaphore, #tpu.memory_space<semaphore_mem>>
    %dma_wait3A_463 = arith.constant 0 : i32
    %dma_wait3A_464 = tpu.memref_slice %arg4[%add3A_452, %dma_wait3A_463] : memref<819200x128xf32, #tpu.memory_space<hbm>> -> memref<128x128xf32, #tpu.memory_space<hbm>>
    %dma_wait3A_465 = arith.constant 0 : i32
    %dma_wait3A_466 = arith.constant 0 : i32
    %dma_wait3A_467 = tpu.memref_slice %arg6[%dma_wait3A_453, %dma_wait3A_465, %dma_wait3A_466] : memref<6x128x128xf32, #tpu.memory_space<vmem>> -> memref<1x128x128xf32, #tpu.memory_space<vmem>>
    %dma_wait3A_468 = tpu.memref_squeeze %dma_wait3A_467 : memref<1x128x128xf32, #tpu.memory_space<vmem>> -> memref<128x128xf32, #tpu.memory_space<vmem>>
    tpu.wait_dma2 semaphore(%dma_wait3A_462 : memref<!tpu.dma_semaphore, #tpu.memory_space<semaphore_mem>>) src(%dma_wait3A_468 : memref<128x128xf32, #tpu.memory_space<vmem>>) dst(%dma_wait3A_464 : memref<128x128xf32, #tpu.memory_space<hbm>>)
    %add3A_469 = arith.constant 25344 : i32
    %add3A_470 = arith.addi %mul3A_2, %add3A_469 : i32
    %dma_wait3A_471 = arith.constant 0 : i32
    %dma_wait3A_472 = arith.constant 0 : i32
    %dma_wait3A_473 = arith.constant 0 : i32
    %dma_wait3A_474 = arith.constant 0 : i32
    %dma_wait3A_475 = tpu.memref_slice %arg6[%dma_wait3A_471, %dma_wait3A_473, %dma_wait3A_474] : memref<6x128x128xf32, #tpu.memory_space<vmem>> -> memref<1x128x128xf32, #tpu.memory_space<vmem>>
    %dma_wait3A_476 = tpu.memref_squeeze %dma_wait3A_475 : memref<1x128x128xf32, #tpu.memory_space<vmem>> -> memref<128x128xf32, #tpu.memory_space<vmem>>
    %dma_wait3A_477 = arith.constant 0 : i32
    %dma_wait3A_478 = tpu.memref_slice %arg4[%add3A_470, %dma_wait3A_477] : memref<819200x128xf32, #tpu.memory_space<hbm>> -> memref<128x128xf32, #tpu.memory_space<hbm>>
    %dma_wait3A_479 = tpu.memref_slice %arg8[%dma_wait3A_472] : memref<6x!tpu.dma_semaphore, #tpu.memory_space<semaphore_mem>> -> memref<1x!tpu.dma_semaphore, #tpu.memory_space<semaphore_mem>>
    %dma_wait3A_480 = tpu.memref_squeeze %dma_wait3A_479 : memref<1x!tpu.dma_semaphore, #tpu.memory_space<semaphore_mem>> -> memref<!tpu.dma_semaphore, #tpu.memory_space<semaphore_mem>>
    %dma_wait3A_481 = arith.constant 0 : i32
    %dma_wait3A_482 = tpu.memref_slice %arg4[%add3A_470, %dma_wait3A_481] : memref<819200x128xf32, #tpu.memory_space<hbm>> -> memref<128x128xf32, #tpu.memory_space<hbm>>
    %dma_wait3A_483 = arith.constant 0 : i32
    %dma_wait3A_484 = arith.constant 0 : i32
    %dma_wait3A_485 = tpu.memref_slice %arg6[%dma_wait3A_471, %dma_wait3A_483, %dma_wait3A_484] : memref<6x128x128xf32, #tpu.memory_space<vmem>> -> memref<1x128x128xf32, #tpu.memory_space<vmem>>
    %dma_wait3A_486 = tpu.memref_squeeze %dma_wait3A_485 : memref<1x128x128xf32, #tpu.memory_space<vmem>> -> memref<128x128xf32, #tpu.memory_space<vmem>>
    tpu.wait_dma2 semaphore(%dma_wait3A_480 : memref<!tpu.dma_semaphore, #tpu.memory_space<semaphore_mem>>) src(%dma_wait3A_486 : memref<128x128xf32, #tpu.memory_space<vmem>>) dst(%dma_wait3A_482 : memref<128x128xf32, #tpu.memory_space<hbm>>)
    %add3A_487 = arith.constant 25472 : i32
    %add3A_488 = arith.addi %mul3A_2, %add3A_487 : i32
    %dma_wait3A_489 = arith.constant 1 : i32
    %dma_wait3A_490 = arith.constant 1 : i32
    %dma_wait3A_491 = arith.constant 0 : i32
    %dma_wait3A_492 = arith.constant 0 : i32
    %dma_wait3A_493 = tpu.memref_slice %arg6[%dma_wait3A_489, %dma_wait3A_491, %dma_wait3A_492] : memref<6x128x128xf32, #tpu.memory_space<vmem>> -> memref<1x128x128xf32, #tpu.memory_space<vmem>>
    %dma_wait3A_494 = tpu.memref_squeeze %dma_wait3A_493 : memref<1x128x128xf32, #tpu.memory_space<vmem>> -> memref<128x128xf32, #tpu.memory_space<vmem>>
    %dma_wait3A_495 = arith.constant 0 : i32
    %dma_wait3A_496 = tpu.memref_slice %arg4[%add3A_488, %dma_wait3A_495] : memref<819200x128xf32, #tpu.memory_space<hbm>> -> memref<128x128xf32, #tpu.memory_space<hbm>>
    %dma_wait3A_497 = tpu.memref_slice %arg8[%dma_wait3A_490] : memref<6x!tpu.dma_semaphore, #tpu.memory_space<semaphore_mem>> -> memref<1x!tpu.dma_semaphore, #tpu.memory_space<semaphore_mem>>
    %dma_wait3A_498 = tpu.memref_squeeze %dma_wait3A_497 : memref<1x!tpu.dma_semaphore, #tpu.memory_space<semaphore_mem>> -> memref<!tpu.dma_semaphore, #tpu.memory_space<semaphore_mem>>
    %dma_wait3A_499 = arith.constant 0 : i32
    %dma_wait3A_500 = tpu.memref_slice %arg4[%add3A_488, %dma_wait3A_499] : memref<819200x128xf32, #tpu.memory_space<hbm>> -> memref<128x128xf32, #tpu.memory_space<hbm>>
    %dma_wait3A_501 = arith.constant 0 : i32
    %dma_wait3A_502 = arith.constant 0 : i32
    %dma_wait3A_503 = tpu.memref_slice %arg6[%dma_wait3A_489, %dma_wait3A_501, %dma_wait3A_502] : memref<6x128x128xf32, #tpu.memory_space<vmem>> -> memref<1x128x128xf32, #tpu.memory_space<vmem>>
    %dma_wait3A_504 = tpu.memref_squeeze %dma_wait3A_503 : memref<1x128x128xf32, #tpu.memory_space<vmem>> -> memref<128x128xf32, #tpu.memory_space<vmem>>
    tpu.wait_dma2 semaphore(%dma_wait3A_498 : memref<!tpu.dma_semaphore, #tpu.memory_space<semaphore_mem>>) src(%dma_wait3A_504 : memref<128x128xf32, #tpu.memory_space<vmem>>) dst(%dma_wait3A_500 : memref<128x128xf32, #tpu.memory_space<hbm>>)
    return
  }
}

</mosaic_0001>

<sc_bundles>
// kernel: kernel.3.cloned.1.call-start
scs
__scs_entry_jumppad:
0x0: {  	(pc) =	sbr.rel $0x88, $3  }
0x1: {  	(tag) =	ssettag $0x0;
	lr =	simm.s32 $0x1  }
0x2: {  	[smem:$0x3F9F] =	sst lr;
	_ =	strace $0xD0000000  }
0x3: {  	_ = 	snop  }
0x4: {  	_ = 	snop  }
0x5: {  	_ = 	snop  }
0x6: {  	_ = 	snop  }
0x7: {  	_ = 	snop  }
__scs_overlays_trampoline_lowered:
0x8: {  	[smem:$0x3FAE] =	sst s0  }
0x9: {  	[smem:$0x3FAF] =	sst s1  }
0xa: {  	[smem:$0x3FB0] =	sst s2  }
0xb: {  	[smem:$0x3FB1] =	sst s3  }
0xc: {  	[smem:$0x3FB2] =	sst s4  }
0xd: {  	[smem:$0x3FB3] =	sst s5  }
0xe: {  	[smem:$0x3FB4] =	sst s6  }
0xf: {  	[smem:$0x3FB5] =	sst s7  }
0x10: {  	[smem:$0x3FB6] =	sst s8  }
0x11: {  	[smem:$0x3FB7] =	sst s9;
	s0 =	simm.s32 @!p0 $0x0  }
0x12: {  	s1 =	sld [smem:$0x3F9D];
	s0 =	simm.s32 @p0 $0x1  }
0x13: {  	[smem:$0x3FB8] =	sst s0;
	s0 =	simm.s32 @!p1 $0x0  }
0x14: {  	s2 =	sld [smem:$0x3F9C];
	s0 =	simm.s32 @p1 $0x1  }
0x15: {  	[smem:$0x3FB9] =	sst s0;
	s0 =	simm.s32 @!p2 $0x0  }
0x16: {  	s3 =	sld [smem:$0x3FDB];
	s0 =	simm.s32 @p2 $0x1  }
0x17: {  	s4 =	simm.s32 $0x1BF5;
	[smem:$0x3FBB] =	sst s0  }
0x18: {  	s0 =	sld [smem:$0x3F9E];
	_ =	swait.ge [sflag:s4], $0x0  }
0x19: {  	s7 =	sld [smem:$0x3F9F]  }
0x1a: {  	s8 =	sadd.s32 $0xFFFFE003, lr  }
0x1b: {  	s9 =	sadd.s32 $0xFFFFFEF7, lr;
	s5 =	simm.s32 $0xFFFFFFFF;
	p2 =	slt.u32 s8, $0xFFFFF086  }
0x1c: {  	p1 =	slt.u32 s9, $0xF7A;
	s5 =	simm.s32 @!p2 $0x0  }
0x1d: {  	s5 =	simm.s32 @p1 $0x1;
	p0 =	seq.s32 s7, s2  }
0x1e: {  	s7 =	smul.u32 @!p0 $0xF7A, s2;
	p2 =	seq.s32 @!p0 s5, $0x0  }
0x1f: {  	s9 =	smul.u32 $0xF7A, s1;
	s8 =	simm.s32 @!p0 $0x1BF5;
	p2 =	por !p2, p0  }
0x20: {  	[sflag:s8] =	ssyncset.s32 @!p0 $0xFFFFF086;
	s6 =	sadd.s32 @!p0 s3, s7;
	s7 =	simm.s32 @!p0 $0x108  }
0x21: {  	s3 =	sadd.s32 s3, s9;
	s6 =	sadd.s32 @!p0 $0x88, s6;
	s7 =	simm.s32 @p2 $0x1082  }
0x22: {  	[simem:s7], [sflag:s8] =	dma.local @!p0 [hbm:s6], $0xF7A  }
0x23: {  	s9 =	sor.u32 $0xD0000000, s2;
	s6 =	simm.s32 $0x108;
	_ =	swait.ge @!p0 [sflag:s8], $0x0  }
0x24: {  	s3 =	sadd.s32 $0x88, s3;
	s6 =	simm.s32 @!p1 $0x1082;
	[sflag:s4] =	ssyncset.s32 $0xFFFFF086  }
0x25: {  	[simem:s6], [sflag:s4] =	dma.local [hbm:s3], $0xF7A  }
0x26: {  	[smem:$0x3F9F] =	sst s1;
	(tag) =	ssettag s2;
	_ =	strace s9  }
0x27: {  	s1 =	sld [smem:$0x3FAF]  }
0x28: {  	s2 =	sld [smem:$0x3FB0]  }
0x29: {  	s4 =	sld [smem:$0x3FB2]  }
0x2a: {  	p0 =	seq.s32 s5, $0x0;
	s5 =	sld [smem:$0x3FB3]  }
0x2b: {  	s6 =	sld [smem:$0x3FB4]  }
0x2c: {  	s7 =	sld [smem:$0x3FB5]  }
0x2d: {  	s3 =	simm.s32 $0x108;
	s8 =	sld [smem:$0x3FB6]  }
0x2e: {  	s3 =	simm.s32 @!p0 $0x1082;
	s9 =	sld [smem:$0x3FB7]  }
0x2f: {  	lr =	sadd.s32 s0, s3;
	s0 =	sld [smem:$0x3FAE]  }
0x30: {  	s3 =	sld [smem:$0x3FB1]  }
0x31: {  	[smem:$0x3FBA] =	sst s10  }
0x32: {  	s10 =	sld [smem:$0x3FB8];
	_ =	sdelay $0x3  }
0x33: {  	p0 =	seq.s32 s10, $0x1;
	s10 =	sld [smem:$0x3FBA];
	_ =	sdelay $0x3  }
0x34: {  	[smem:$0x3FBA] =	sst s10  }
0x35: {  	s10 =	sld [smem:$0x3FB9];
	_ =	sdelay $0x3  }
0x36: {  	p1 =	seq.s32 s10, $0x1;
	s10 =	sld [smem:$0x3FBA];
	_ =	sdelay $0x3  }
0x37: {  	[smem:$0x3FBA] =	sst s10  }
0x38: {  	s10 =	sld [smem:$0x3FBB]  }
0x39: {  	_ = 	snop;
	(pc) =	sbr.ind lr, $3  }
0x3a: {  	_ = 	snop  }
0x3b: {  	_ = 	snop  }
0x3c: {  	p2 =	seq.s32 s10, $0x1;
	s10 =	sld [smem:$0x3FBA]  }
0x3d: {  	_ =	shalt  }
0x3e: {  	_ =	shalt  }
0x3f: {  	_ =	shalt  }
0x40: {  	_ =	shalt  }
0x41: {  	_ =	shalt  }
0x42: {  	_ =	shalt  }
0x43: {  	_ =	shalt  }
0x44: {  	_ =	shalt  }
0x45: {  	_ =	shalt  }
0x46: {  	_ =	shalt  }
0x47: {  	_ =	shalt  }
0x48: {  	_ =	shalt  }
0x49: {  	_ =	shalt  }
0x4a: {  	_ =	shalt  }
0x4b: {  	_ =	shalt  }
0x4c: {  	_ =	shalt  }
0x4d: {  	_ =	shalt  }
0x4e: {  	_ =	shalt  }
0x4f: {  	_ =	shalt  }
0x50: {  	_ =	shalt  }
0x51: {  	_ =	shalt  }
0x52: {  	_ =	shalt  }
0x53: {  	_ =	shalt  }
0x54: {  	_ =	shalt  }
0x55: {  	_ =	shalt  }
0x56: {  	_ =	shalt  }
0x57: {  	_ =	shalt  }
0x58: {  	_ =	shalt  }
0x59: {  	_ =	shalt  }
0x5a: {  	_ =	shalt  }
0x5b: {  	_ =	shalt  }
0x5c: {  	_ =	shalt  }
0x5d: {  	_ =	shalt  }
0x5e: {  	_ =	shalt  }
0x5f: {  	_ =	shalt  }
0x60: {  	_ =	shalt  }
0x61: {  	_ =	shalt  }
0x62: {  	_ =	shalt  }
0x63: {  	_ =	shalt  }
0x64: {  	_ =	shalt  }
0x65: {  	_ =	shalt  }
0x66: {  	_ =	shalt  }
0x67: {  	_ =	shalt  }
0x68: {  	_ =	shalt  }
0x69: {  	_ =	shalt  }
0x6a: {  	_ =	shalt  }
0x6b: {  	_ =	shalt  }
0x6c: {  	_ =	shalt  }
0x6d: {  	_ =	shalt  }
0x6e: {  	_ =	shalt  }
0x6f: {  	_ =	shalt  }
0x70: {  	_ =	shalt  }
0x71: {  	_ =	shalt  }
0x72: {  	_ =	shalt  }
0x73: {  	_ =	shalt  }
0x74: {  	_ =	shalt  }
0x75: {  	_ =	shalt  }
0x76: {  	_ =	shalt  }
0x77: {  	_ =	shalt  }
0x78: {  	_ =	shalt  }
0x79: {  	_ =	shalt  }
0x7a: {  	_ =	shalt  }
0x7b: {  	_ =	shalt  }
0x7c: {  	_ =	shalt  }
0x7d: {  	_ =	shalt  }
0x7e: {  	_ =	shalt  }
0x7f: {  	_ =	shalt  }
0x80: {  	_ =	shalt  }
0x81: {  	_ =	shalt  }
0x82: {  	_ =	shalt  }
0x83: {  	_ =	shalt  }
0x84: {  	_ =	shalt  }
0x85: {  	_ =	shalt  }
0x86: {  	_ =	shalt  }
0x87: {  	_ =	shalt  }
.Lfunc_end0:
.L_simem_size_0:
called_computation_lowered:
.L_overlay_start_0:
0x88: {  	s2 =	sld [smem:$0x3FD9]  }
0x89: {  	s3 =	sld [smem:$0x3FFE];
	_ =	sdelay $0x1  }
0x8a: {  	s1 =	srdreg.scid  }
0x8b: {  	s0 =	sand.u32 $0x1, s1  }
0x8c: {  	s17 =	sshll.u32 s0, $0xA;
	s2 =	sadd.s32 s3, s2  }
0x8d: {  	s2 =	sadd.s32 s2, s17  }
0x8e: {  	[smem:$0x3FC6] =	sst s2  }
0x8f: {  	_ = 	snop  }
0x90: {  	s2 =	sld [smem:$0x3FC8]  }
0x91: {  	s18 =	sld [smem:$0x3FD0];
	(tm) =	ssettm $0x1  }
0x92: {  	s4 =	sld [smem:$0x3FFB];
	_ =	sdelay $0x3  }
0x93: {  	_ =	strace s4  }
0x94: {  	s4 =	sld [smem:$0x3FFC];
	_ =	sdelay $0x3  }
0x95: {  	_ =	strace s4  }
0x96: {  	s4 =	sld [smem:$0x3FFD];
	_ =	sdelay $0x3  }
0x97: {  	_ =	strace s4  }
0x98: {  	_ =	strace $0x8FFFFFFF  }
0x99: {  	s19 =	sld [smem:$0x3FDB];
	_ =	sdelay $0x1  }
0x9a: {  	s5 =	simm.s32 $_scs_section_size  }
0x9b: {  	s6 =	simm.s32 $_size__tile_overlayer_lowered;
	s7 =	simm.s32 $_tile_overlayer_lowered  }
0x9c: {  	s22 =	simm.s32 $0x1BFF;
	s21 =	sshll.u32 s7, $0x1;
	s4 =	sadd.s32 s5, s19  }
0x9d: {  	s8 =	simm.s32 $0x0;
	s20 =	sshll.u32 s6, $0x1;
	s6 =	sadd.s32 s21, s4  }
0x9e: {  	[timem:s8], [sflag:s22] =	dma.local [hbm:s6], s20  }
0x9f: {  	_ =	swait.ge [sflag:s22], s20  }
0xa0: {  	s5 =	ssub.s32 $0x0, s20;
	[sflag:s22] =	ssyncset.done $0x0  }
0xa1: {  	[sflag:s22] =	ssyncadd.s32 s5;
	_ =	sdelay $0x1  }
0xa2: {  	s23 =	simm.s32 $0x1B8B  }
0xa3: {  	_ =	swait.ge [sflag:s23], $0x1  }
0xa4: {  	[sflag:s23] =	ssyncset.done $0x0  }
0xa5: {  	s25 =	simm.s32 $0x1B8E;
	s24 =	sld [smem:$0x3FFE];
	[sflag:s23] =	ssyncadd.s32 $0xFFFFFFFF  }
0xa6: {  	s26 =	simm.s32 $execute0_lowered;
	[smem:$0x3FD2] =	sst s25  }
0xa7: {  	s6 =	sshll.u32 s26, $0x1;
	_ =	strace $0x80000046;
	[dreg:$0x1] =	wrdreg $0xFFFFFFFF  }
0xa8: {  	s28 =	simm.s32 $_size_execute0_lowered;
	s4 =	sadd.s32 s4, s6;
	[dreg:$0x0] =	wrdreg $0x0  }
0xa9: {  	s6 =	sshll.u32 s28, $0x1;
	[dreg:$0x2] =	wrdreg s4  }
0xaa: {  	[dreg:$0x3] =	wrdreg s6  }
0xab: {  	[dreg:$0x4] =	wrdreg $0xC0  }
0xac: {  	_ =	task [dreg:s8], $0x5FFFF  }
0xad: {  	[dreg:$0x1] =	wrdreg $0xFFFFFFFF  }
0xae: {  	[dreg:$0x0] =	wrdreg $0x60  }
0xaf: {  	[dreg:$0x2] =	wrdreg s2  }
0xb0: {  	[dreg:$0x3] =	wrdreg s24  }
0xb1: {  	[dreg:$0x4] =	wrdreg s18  }
0xb2: {  	[dreg:$0x5] =	wrdreg $0x9  }
0xb3: {  	_ =	task.clear_ibuf [dreg:s8], $0x6FFFF;
	_ =	strace $0x90000046  }
0xb4: {  	s29 =	simm.s32 $0x9;
	_ =	strace $0x80000048  }
0xb5: {  	_ =	swait.ge [sflag:s29], $0x1  }
0xb6: {  	[sflag:s29] =	ssyncadd.s32 $0xFFFFFFFF  }
0xb7: {  	_ =	strace $0x90000048  }
0xb8: {  	_ =	sfence  }
0xb9: {  	s30 =	sld [smem:$0x0];
	_ =	sdelay $0x2  }
0xba: {  	s31 =	sshll.u32 s1, $0xD;
	s1 =	sshrl.u32 s1, $0x2  }
0xbb: {  	s3 =	sand.u32 $0x4000, s31;
	s1 =	sadd.s32 s1, s30  }
0xbc: {  	s0 =	sor.u32 s3, s0;
	s1 =	sshll.u32 s1, $0x11  }
0xbd: {  	s0 =	sor.u32 s1, s0  }
0xbe: {  	s0 =	sadd.s32 $0x8F2B, s0  }
0xbf: {  	[sflag:s0] =	ssyncadd.remote.s32 $0x1  }
0xc0: {  	_ =	sfence.sel $0xFFFF  }
0xc1: {  	[dreg:$0x0] =	wrdreg $0xFFFFFFFF;
	(pc) =	sbr.abs _section_cstart, $3  }
0xc2: {  	[dreg:$0x1] =	wrdreg $0xFFFFFFFF  }
0xc3: {  	_ =	task.clear_ibuf [dreg:s8], $0x2FFFF;
	_ =	strace $0x9FFFFFFF  }
0xc4: {  	(tm) =	ssettm $0x7FFFFFFF  }
0xc5: {  	_ =	shalt  }
tec
execute0_lowered:
.L_overlay_start_1:
0x0: {  	(tag) =	ssettag $0x1  }
0x1: {  	s1 =	rddreg [dreg:$0x0]  }
0x2: {  	s0 =	rddreg [dreg:$0x1]  }
0x3: {  	s2 =	srdreg.scid;
	s9 =	stileid.u32  }
0x4: {  	s4 =	rddreg [dreg:$0x2];
	s3 =	simm.s32 $0x0;
	s15 =	simm.s32 $0xD  }
0x5: {  	s16 =	simm.s32 $0x80;
	s17 =	simm.s32 $0x6400;
	s18 =	simm.s32 $0xA400  }
0x6: {  	s28 =	simm.s32 $0x1A400;
	s2 =	sand.u32 $0x1, s2;
	s5 =	sshll.u32 s9, $0x1  }
0x7: {  	s29 =	simm.s32 $0x2;
	s22 =	smul.u32 $0xC8000, s9;
	s5 =	sor.u32 s2, s5  }
0x8: {  	s30 =	simm.s32 $0x7;
	s31 =	simm.s32 $0x3;
	s6 =	smul.u32 $0x6400, s5  }
0x9: {  	s19 =	simm.s32 $0x9;
	[smem:$0x7FF] =	sst s3;
	s8 =	smul.u32 $0x320000, s5  }
0xa: {  	_ =	strace $0x80000047;
	s7 =	ssub.s32 $0x2, s2;
	s5 =	smul.u32 $0x64000, s5  }
0xb: {  	s2 =	smul.u32 $0x64000, s2;
	s20 =	sshrl.u32 s7, $0x1;
	s6 =	sshrl.u32 s6, $0x3  }
0xc: {  	s21 =	sshrl.u32 s8, $0x3;
	s5 =	sadd.s32 s4, s5;
	s0 =	sadd.s32 s6, s0  }
0xd: {  	s6 =	ssub.s32 s7, s20;
	[dreg:$0x5] =	wrdreg s5;
	s5 =	sadd.s32 $0x800, s5  }
0xe: {  	s20 =	simm.s32 $0xE400;
	s7 =	simm.s32 $0x0;
	s0 =	sadd.s32 $0x400, s0  }
0xf: {  	[dreg:$0x6] =	wrdreg s5;
	s13 =	smax.u32 s6, $0x1;
	s6 =	simm.s32 $0xC  }
0x10: {  	[dreg:$0x4] =	wrdreg s0;
	s0 =	sadd.s32 s4, s21;
	s4 =	sadd.s32 s22, s4  }
0x11: {  	s22 =	simm.s32 $0x12400;
	s21 =	simm.s32 $0x5;
	s23 =	sadd.s32 $0x61000, s0  }
0x12: {  	s24 =	sadd.s32 $0x61800, s0;
	s25 =	sadd.s32 $0x62000, s0;
	[dreg:$0x7] =	wrdreg s23  }
0x13: {  	s26 =	sadd.s32 $0x62800, s0;
	s11 =	sadd.s32 $0x63000, s0;
	[dreg:$0x8] =	wrdreg s24  }
0x14: {  	s2 =	sadd.s32 s2, s4;
	s12 =	sadd.s32 $0x63800, s0;
	[dreg:$0x9] =	wrdreg s25  }
0x15: {  	s0 =	simm.s32 $0x4;
	s4 =	simm.s32 $0xB;
	[dreg:$0xa] =	wrdreg s26  }
0x16: {  	s14 =	sadd.s32 $0x2000, s2;
	s24 =	simm.s32 $0x16400;
	s25 =	simm.s32 $0x1  }
0x17: {  	s2 =	simm.s32 $0x8;
	s23 =	simm.s32 $0xA;
	s26 =	simm.s32 $0x6  }
.LBB2_1:
0x18: {  	s5 =	rddreg [dreg:$0x4]  }
0x19: {  	[tilespmem:s3], [sflag:$0xD] =	stream.linear.gather [hbm4b:s5+s3], $0x6400, $0x38;
	[tilespmem:$0x1E400] =	vst v63  }
0x1a: {  	_ =	swait.ge [sflag:s15], $0x6400  }
0x1b: {  	[sflag:s15] =	ssyncset.done $0x0  }
0x1c: {  	[sflag:s15] =	ssyncadd.s32 $0xFFFF9C00  }
0x1d: {  	[tilespmem:s17], [sflag:$0x1] =	stream.indirect.gather [hbm4b:s1+s16], $0x80, s3, s16, $0xb8;
	[tilespmem:$0x1E400] =	vst v63  }
0x1e: {  	_ = 	snop  }
0x1f: {  	[tilespmem:s18], [sflag:$0x2] =	stream.indirect.gather [hbm4b:s1+s16], $0x80, s16, s16, $0xb8;
	[tilespmem:$0x1E400] =	vst v63  }
0x20: {  	s8 =	simm.s32 $0x100  }
0x21: {  	[tilespmem:s20], [sflag:$0x3] =	stream.indirect.gather [hbm4b:s1+s16], $0x80, s8, s16, $0xb8;
	[tilespmem:$0x1E400] =	vst v63  }
0x22: {  	s9 =	simm.s32 $0x180  }
0x23: {  	[tilespmem:s22], [sflag:$0x4] =	stream.indirect.gather [hbm4b:s1+s16], $0x80, s9, s16, $0xb8;
	[tilespmem:$0x1E400] =	vst v63  }
0x24: {  	s10 =	simm.s32 $0x200  }
0x25: {  	[tilespmem:s24], [sflag:$0x5] =	stream.indirect.gather [hbm4b:s1+s16], $0x80, s10, s16, $0xb8;
	[tilespmem:$0x1E400] =	vst v63  }
0x26: {  	_ =	swait.ge [sflag:s25], $0x4000  }
0x27: {  	[sflag:s25] =	ssyncset.done $0x0  }
0x28: {  	s8 =	rddreg [dreg:$0x5];
	[sflag:s25] =	ssyncadd.s32 $0xFFFFC000  }
0x29: {  	[hbm4b:s8+s3] =	stream.linear.scatter [tilespmem:s17], [sflag:$0x7], $0x4000, $0x38;
	[tilespmem:$0x1E400] =	vst v63  }
0x2a: {  	s9 =	simm.s32 $0x280  }
0x2b: {  	[tilespmem:s28], [sflag:$0x6] =	stream.indirect.gather [hbm4b:s1+s16], $0x80, s9, s16, $0xb8;
	[tilespmem:$0x1E400] =	vst v63  }
0x2c: {  	_ =	swait.ge [sflag:s29], $0x4000  }
0x2d: {  	[sflag:s29] =	ssyncset.done $0x0  }
0x2e: {  	s10 =	rddreg [dreg:$0x6];
	[sflag:s29] =	ssyncadd.s32 $0xFFFFC000  }
0x2f: {  	[hbm4b:s10+s3] =	stream.linear.scatter [tilespmem:s18], [sflag:$0x8], $0x4000, $0x38;
	[tilespmem:$0x1E400] =	vst v63  }
0x30: {  	_ =	swait.ge [sflag:s30], $0x4000  }
0x31: {  	[sflag:s30] =	ssyncset.done $0x0  }
0x32: {  	s8 =	simm.s32 $0x300;
	[sflag:s30] =	ssyncadd.s32 $0xFFFFC000  }
0x33: {  	[tilespmem:s17], [sflag:$0x1] =	stream.indirect.gather [hbm4b:s1+s16], $0x80, s8, s16, $0xb8;
	[tilespmem:$0x1E400] =	vst v63  }
0x34: {  	_ =	swait.ge [sflag:s31], $0x4000  }
0x35: {  	[sflag:s31] =	ssyncset.done $0x0  }
0x36: {  	s5 =	sadd.s32 $0xFFFFF000, s14;
	[sflag:s31] =	ssyncadd.s32 $0xFFFFC000  }
0x37: {  	[hbm4b:s5+s3] =	stream.linear.scatter [tilespmem:s20], [sflag:$0x9], $0x4000, $0x38;
	[tilespmem:$0x1E400] =	vst v63  }
0x38: {  	_ =	swait.ge [sflag:s2], $0x4000  }
0x39: {  	[sflag:s2] =	ssyncset.done $0x0  }
0x3a: {  	s9 =	simm.s32 $0x380;
	[sflag:s2] =	ssyncadd.s32 $0xFFFFC000  }
0x3b: {  	[tilespmem:s18], [sflag:$0x2] =	stream.indirect.gather [hbm4b:s1+s16], $0x80, s9, s16, $0xb8;
	[tilespmem:$0x1E400] =	vst v63  }
0x3c: {  	_ =	swait.ge [sflag:s0], $0x4000  }
0x3d: {  	[sflag:s0] =	ssyncset.done $0x0  }
0x3e: {  	s10 =	sadd.s32 $0xFFFFF800, s14;
	[sflag:s0] =	ssyncadd.s32 $0xFFFFC000  }
0x3f: {  	[hbm4b:s10+s3] =	stream.linear.scatter [tilespmem:s22], [sflag:$0xA], $0x4000, $0x38;
	[tilespmem:$0x1E400] =	vst v63  }
0x40: {  	_ =	swait.ge [sflag:s19], $0x4000  }
0x41: {  	[sflag:s19] =	ssyncset.done $0x0  }
0x42: {  	s5 =	simm.s32 $0x400;
	[sflag:s19] =	ssyncadd.s32 $0xFFFFC000  }
0x43: {  	[tilespmem:s20], [sflag:$0x3] =	stream.indirect.gather [hbm4b:s1+s16], $0x80, s5, s16, $0xb8;
	[tilespmem:$0x1E400] =	vst v63  }
0x44: {  	_ =	swait.ge [sflag:s21], $0x4000  }
0x45: {  	[sflag:s21] =	ssyncset.done $0x0  }
0x46: {  	[sflag:s21] =	ssyncadd.s32 $0xFFFFC000  }
0x47: {  	[hbm4b:s14+s3] =	stream.linear.scatter [tilespmem:s24], [sflag:$0xB], $0x4000, $0x38;
	[tilespmem:$0x1E400] =	vst v63  }
0x48: {  	_ =	swait.ge [sflag:s23], $0x4000  }
0x49: {  	[sflag:s23] =	ssyncset.done $0x0  }
0x4a: {  	s9 =	simm.s32 $0x480;
	[sflag:s23] =	ssyncadd.s32 $0xFFFFC000  }
0x4b: {  	[tilespmem:s22], [sflag:$0x4] =	stream.indirect.gather [hbm4b:s1+s16], $0x80, s9, s16, $0xb8;
	[tilespmem:$0x1E400] =	vst v63  }
0x4c: {  	_ =	swait.ge [sflag:s26], $0x4000  }
0x4d: {  	[sflag:s26] =	ssyncset.done $0x0  }
0x4e: {  	s10 =	sadd.s32 $0x800, s14;
	[sflag:s26] =	ssyncadd.s32 $0xFFFFC000  }
0x4f: {  	[hbm4b:s10+s3] =	stream.linear.scatter [tilespmem:s28], [sflag:$0xC], $0x4000, $0x38;
	[tilespmem:$0x1E400] =	vst v63  }
0x50: {  	_ =	swait.ge [sflag:s4], $0x4000  }
0x51: {  	[sflag:s4] =	ssyncset.done $0x0  }
0x52: {  	s5 =	simm.s32 $0x500;
	[sflag:s4] =	ssyncadd.s32 $0xFFFFC000  }
0x53: {  	[tilespmem:s24], [sflag:$0x5] =	stream.indirect.gather [hbm4b:s1+s16], $0x80, s5, s16, $0xb8;
	[tilespmem:$0x1E400] =	vst v63  }
0x54: {  	_ =	swait.ge [sflag:s25], $0x4000  }
0x55: {  	[sflag:s25] =	ssyncset.done $0x0  }
0x56: {  	s9 =	sadd.s32 $0x1000, s14;
	[sflag:s25] =	ssyncadd.s32 $0xFFFFC000  }
0x57: {  	[hbm4b:s9+s3] =	stream.linear.scatter [tilespmem:s17], [sflag:$0x7], $0x4000, $0x38;
	[tilespmem:$0x1E400] =	vst v63  }
0x58: {  	_ =	swait.ge [sflag:s6], $0x4000  }
0x59: {  	[sflag:s6] =	ssyncset.done $0x0  }
0x5a: {  	s10 =	simm.s32 $0x580;
	[sflag:s6] =	ssyncadd.s32 $0xFFFFC000  }
0x5b: {  	[tilespmem:s28], [sflag:$0x6] =	stream.indirect.gather [hbm4b:s1+s16], $0x80, s10, s16, $0xb8;
	[tilespmem:$0x1E400] =	vst v63  }
0x5c: {  	_ =	swait.ge [sflag:s29], $0x4000  }
0x5d: {  	s8 =	simm.s32 $0xC00;
	[sflag:s29] =	ssyncset.done $0x0  }
0x5e: {  	s9 =	sadd.s32 $0x3000, s14;
	s10 =	sadd.s32 $0x1800, s14;
	[sflag:s29] =	ssyncadd.s32 $0xFFFFC000  }
.LBB2_2:
0x5f: {  	[hbm4b:s10+s3] =	stream.linear.scatter [tilespmem:s18], [sflag:$0x8], $0x4000, $0x38;
	[tilespmem:$0x1E400] =	vst v63  }
0x60: {  	s10 =	smov.u32 s8  }
0x61: {  	p0 =	sne.s32 s8, $0x17400;
	s8 =	sadd.s32 $0xC00, s8;
	_ =	swait.ge [sflag:s30], $0x4000  }
0x62: {  	s10 =	sshra.s32 s10, $0x2;
	[sflag:s30] =	ssyncset.done $0x0  }
0x63: {  	s5 =	sadd.s32 $0x300, s10;
	[sflag:s30] =	ssyncadd.s32 $0xFFFFC000  }
0x64: {  	[tilespmem:s17], [sflag:$0x1] =	stream.indirect.gather [hbm4b:s1+s16], $0x80, s5, s16, $0xb8;
	[tilespmem:$0x1E400] =	vst v63  }
0x65: {  	_ =	swait.ge [sflag:s31], $0x4000  }
0x66: {  	[sflag:s31] =	ssyncset.done $0x0  }
0x67: {  	s5 =	sadd.s32 $0xFFFFF000, s9;
	[sflag:s31] =	ssyncadd.s32 $0xFFFFC000  }
0x68: {  	[hbm4b:s5+s3] =	stream.linear.scatter [tilespmem:s20], [sflag:$0x9], $0x4000, $0x38;
	[tilespmem:$0x1E400] =	vst v63  }
0x69: {  	_ =	swait.ge [sflag:s2], $0x4000  }
0x6a: {  	[sflag:s2] =	ssyncset.done $0x0  }
0x6b: {  	s5 =	sadd.s32 $0x380, s10;
	[sflag:s2] =	ssyncadd.s32 $0xFFFFC000  }
0x6c: {  	[tilespmem:s18], [sflag:$0x2] =	stream.indirect.gather [hbm4b:s1+s16], $0x80, s5, s16, $0xb8;
	[tilespmem:$0x1E400] =	vst v63  }
0x6d: {  	_ =	swait.ge [sflag:s0], $0x4000  }
0x6e: {  	[sflag:s0] =	ssyncset.done $0x0  }
0x6f: {  	s5 =	sadd.s32 $0xFFFFF800, s9;
	[sflag:s0] =	ssyncadd.s32 $0xFFFFC000  }
0x70: {  	[hbm4b:s5+s3] =	stream.linear.scatter [tilespmem:s22], [sflag:$0xA], $0x4000, $0x38;
	[tilespmem:$0x1E400] =	vst v63  }
0x71: {  	_ =	swait.ge [sflag:s19], $0x4000  }
0x72: {  	[sflag:s19] =	ssyncset.done $0x0  }
0x73: {  	s5 =	sadd.s32 $0x400, s10;
	[sflag:s19] =	ssyncadd.s32 $0xFFFFC000  }
0x74: {  	[tilespmem:s20], [sflag:$0x3] =	stream.indirect.gather [hbm4b:s1+s16], $0x80, s5, s16, $0xb8;
	[tilespmem:$0x1E400] =	vst v63  }
0x75: {  	_ =	swait.ge [sflag:s21], $0x4000  }
0x76: {  	[sflag:s21] =	ssyncset.done $0x0  }
0x77: {  	[sflag:s21] =	ssyncadd.s32 $0xFFFFC000  }
0x78: {  	[hbm4b:s9+s3] =	stream.linear.scatter [tilespmem:s24], [sflag:$0xB], $0x4000, $0x38;
	[tilespmem:$0x1E400] =	vst v63  }
0x79: {  	_ =	swait.ge [sflag:s23], $0x4000  }
0x7a: {  	[sflag:s23] =	ssyncset.done $0x0  }
0x7b: {  	s5 =	sadd.s32 $0x480, s10;
	[sflag:s23] =	ssyncadd.s32 $0xFFFFC000  }
0x7c: {  	[tilespmem:s22], [sflag:$0x4] =	stream.indirect.gather [hbm4b:s1+s16], $0x80, s5, s16, $0xb8;
	[tilespmem:$0x1E400] =	vst v63  }
0x7d: {  	_ =	swait.ge [sflag:s26], $0x4000  }
0x7e: {  	[sflag:s26] =	ssyncset.done $0x0  }
0x7f: {  	s5 =	sadd.s32 $0x800, s9;
	[sflag:s26] =	ssyncadd.s32 $0xFFFFC000  }
0x80: {  	[hbm4b:s5+s3] =	stream.linear.scatter [tilespmem:s28], [sflag:$0xC], $0x4000, $0x38;
	[tilespmem:$0x1E400] =	vst v63  }
0x81: {  	_ =	swait.ge [sflag:s4], $0x4000  }
0x82: {  	[sflag:s4] =	ssyncset.done $0x0  }
0x83: {  	s5 =	sadd.s32 $0x500, s10;
	[sflag:s4] =	ssyncadd.s32 $0xFFFFC000  }
0x84: {  	[tilespmem:s24], [sflag:$0x5] =	stream.indirect.gather [hbm4b:s1+s16], $0x80, s5, s16, $0xb8;
	[tilespmem:$0x1E400] =	vst v63  }
0x85: {  	_ =	swait.ge [sflag:s25], $0x4000  }
0x86: {  	[sflag:s25] =	ssyncset.done $0x0  }
0x87: {  	s5 =	sadd.s32 $0x1000, s9;
	[sflag:s25] =	ssyncadd.s32 $0xFFFFC000  }
0x88: {  	[hbm4b:s5+s3] =	stream.linear.scatter [tilespmem:s17], [sflag:$0x7], $0x4000, $0x38;
	[tilespmem:$0x1E400] =	vst v63  }
0x89: {  	_ =	swait.ge [sflag:s6], $0x4000  }
0x8a: {  	[sflag:s6] =	ssyncset.done $0x0  }
.Ltmp0:
0x8b: {  	s5 =	sadd.s32 $0x580, s10;
	[sflag:s6] =	ssyncadd.s32 $0xFFFFC000;
	(pc) =	sbr.rel @p0 .LBB2_2-.Ltmp0, $4  }
0x8c: {  	[tilespmem:s28], [sflag:$0x6] =	stream.indirect.gather [hbm4b:s1+s16], $0x80, s5, s16, $0xb8;
	[tilespmem:$0x1E400] =	vst v63  }
0x8d: {  	_ =	swait.ge [sflag:s29], $0x4000  }
0x8e: {  	[sflag:s29] =	ssyncset.done $0x0  }
0x8f: {  	s10 =	sadd.s32 $0x1800, s9;
	s9 =	sadd.s32 $0x3000, s9;
	[sflag:s29] =	ssyncadd.s32 $0xFFFFC000  }
0x90: {  	[hbm4b:s10+s3] =	stream.linear.scatter [tilespmem:s18], [sflag:$0x8], $0x4000, $0x38;
	[tilespmem:$0x1E400] =	vst v63  }
0x91: {  	_ =	swait.ge [sflag:s30], $0x4000  }
0x92: {  	[sflag:s30] =	ssyncset.done $0x0  }
0x93: {  	s5 =	simm.s32 $0x6300;
	[sflag:s30] =	ssyncadd.s32 $0xFFFFC000  }
0x94: {  	[tilespmem:s17], [sflag:$0x1] =	stream.indirect.gather [hbm4b:s1+s16], $0x80, s5, s16, $0xb8;
	[tilespmem:$0x1E400] =	vst v63  }
0x95: {  	_ =	swait.ge [sflag:s31], $0x4000  }
0x96: {  	[sflag:s31] =	ssyncset.done $0x0  }
0x97: {  	s9 =	rddreg [dreg:$0x7];
	[sflag:s31] =	ssyncadd.s32 $0xFFFFC000  }
0x98: {  	[hbm4b:s9+s3] =	stream.linear.scatter [tilespmem:s20], [sflag:$0x9], $0x4000, $0x38;
	[tilespmem:$0x1E400] =	vst v63  }
0x99: {  	_ =	swait.ge [sflag:s2], $0x4000  }
0x9a: {  	[sflag:s2] =	ssyncset.done $0x0  }
0x9b: {  	s10 =	simm.s32 $0x6380;
	[sflag:s2] =	ssyncadd.s32 $0xFFFFC000  }
0x9c: {  	[tilespmem:s18], [sflag:$0x2] =	stream.indirect.gather [hbm4b:s1+s16], $0x80, s10, s16, $0xb8;
	[tilespmem:$0x1E400] =	vst v63  }
0x9d: {  	_ =	swait.ge [sflag:s0], $0x4000  }
0x9e: {  	[sflag:s0] =	ssyncset.done $0x0  }
0x9f: {  	s8 =	rddreg [dreg:$0x8];
	[sflag:s0] =	ssyncadd.s32 $0xFFFFC000  }
0xa0: {  	[hbm4b:s8+s3] =	stream.linear.scatter [tilespmem:s22], [sflag:$0xA], $0x4000, $0x38;
	[tilespmem:$0x1E400] =	vst v63  }
0xa1: {  	_ =	swait.ge [sflag:s21], $0x4000  }
0xa2: {  	[sflag:s21] =	ssyncset.done $0x0  }
0xa3: {  	s9 =	rddreg [dreg:$0x9];
	[sflag:s21] =	ssyncadd.s32 $0xFFFFC000  }
0xa4: {  	[hbm4b:s9+s3] =	stream.linear.scatter [tilespmem:s24], [sflag:$0xB], $0x4000, $0x38;
	[tilespmem:$0x1E400] =	vst v63  }
0xa5: {  	_ =	swait.ge [sflag:s26], $0x4000  }
0xa6: {  	[sflag:s26] =	ssyncset.done $0x0  }
0xa7: {  	s10 =	rddreg [dreg:$0xa];
	[sflag:s26] =	ssyncadd.s32 $0xFFFFC000  }
0xa8: {  	[hbm4b:s10+s3] =	stream.linear.scatter [tilespmem:s28], [sflag:$0xC], $0x4000, $0x38;
	[tilespmem:$0x1E400] =	vst v63  }
0xa9: {  	_ =	swait.ge [sflag:s25], $0x4000  }
0xaa: {  	[sflag:s25] =	ssyncset.done $0x0  }
0xab: {  	[sflag:s25] =	ssyncadd.s32 $0xFFFFC000  }
0xac: {  	[hbm4b:s11+s3] =	stream.linear.scatter [tilespmem:s17], [sflag:$0x7], $0x4000, $0x38;
	[tilespmem:$0x1E400] =	vst v63  }
0xad: {  	_ =	swait.ge [sflag:s29], $0x4000  }
0xae: {  	[sflag:s29] =	ssyncset.done $0x0  }
0xaf: {  	[sflag:s29] =	ssyncadd.s32 $0xFFFFC000  }
0xb0: {  	[hbm4b:s12+s3] =	stream.linear.scatter [tilespmem:s18], [sflag:$0x8], $0x4000, $0x38;
	[tilespmem:$0x1E400] =	vst v63  }
0xb1: {  	_ =	swait.ge [sflag:s19], $0x4000  }
0xb2: {  	[sflag:s19] =	ssyncset.done $0x0  }
0xb3: {  	[sflag:s19] =	ssyncadd.s32 $0xFFFFC000  }
0xb4: {  	_ =	swait.ge [sflag:s23], $0x4000  }
0xb5: {  	[sflag:s23] =	ssyncset.done $0x0  }
0xb6: {  	[sflag:s23] =	ssyncadd.s32 $0xFFFFC000  }
0xb7: {  	_ =	swait.ge [sflag:s4], $0x4000  }
0xb8: {  	[sflag:s4] =	ssyncset.done $0x0  }
0xb9: {  	[sflag:s4] =	ssyncadd.s32 $0xFFFFC000  }
0xba: {  	_ =	swait.ge [sflag:s6], $0x4000  }
0xbb: {  	[sflag:s6] =	ssyncset.done $0x0  }
0xbc: {  	s7 =	sadd.s32 $0x1, s7;
	[sflag:s6] =	ssyncadd.s32 $0xFFFFC000  }
0xbd: {  	p0 =	sne.s32 s7, s13;
	_ =	swait.ge [sflag:s30], $0x4000  }
.Ltmp1:
0xbe: {  	[sflag:s30] =	ssyncset.done $0x0;
	(pc) =	sbr.rel @p0 .LBB2_1-.Ltmp1, $4  }
0xbf: {  	[sflag:s30] =	ssyncadd.s32 $0xFFFFC000  }
0xc0: {  	_ =	swait.ge [sflag:s2], $0x4000  }
0xc1: {  	[sflag:s2] =	ssyncset.done $0x0  }
0xc2: {  	[sflag:s2] =	ssyncadd.s32 $0xFFFFC000  }
0xc3: {  	_ =	sfence.sel $0x180000  }
0xc4: {  	[bflag:$0x0] =	sbarrier.arrive $0xFFFF  }
0xc5: {  	_ =	strace $0x90000047  }
0xc6: {  	s0 =	stileid.u32;
	[bflag:$0x2] =	sbarrier.arrive $0xFFFF  }
0xc7: {  	p0 =	sne.s32 s0, $0x0;
	s0 =	rddreg [dreg:$0x3]  }
0xc8: {  	s0 =	sadd.s32 @!p0 $0x100000, s0  }
0xc9: {  	[sflag:s0] =	ssyncadd.tile.s32 @!p0 $0x1;
	_ =	shalt  }
.Lfunc_end2:
_tile_overlayer_lowered:
.L_overlay_start_2:
0xca: {  	(tag) =	ssettag $0x2  }
0xcb: {  	s0 =	rddreg [dreg:$0x0];
	s2 =	stileid.u32  }
0xcc: {  	s1 =	rddreg [dreg:$0x1];
	p0 =	sne.s32 s2, $0x0  }
0xcd: {  	s3 =	rddreg [dreg:$0x2];
	[bflag:$0x3] =	sbarrier.arrive $0xFFFF;
	s2 =	simm.s32 @!p0 $0x1C0E  }
0xce: {  	[timem:s3], [sflag:s2] =	dma.local @!p0 [hbm:s0], s1  }
0xcf: {  	s0 =	simm.s32 @!p0 $0xE  }
0xd0: {  	_ =	swait.ge @!p0 [sflag:s0], s1  }
0xd1: {  	s1 =	ssub.s32 @!p0 $0x0, s1;
	[sflag:s0] =	ssyncset.done @!p0 $0x0  }
0xd2: {  	[sflag:s0] =	ssyncadd.s32 @!p0 s1  }
0xd3: {  	[bflag:$0x3] =	sbarrier.arrive $0xFFFF  }
0xd4: {  	_ =	shalt  }

</sc_bundles>
